<compile_context>
chip_gen: v7x
topology: tpu7x:2x2x1
jax: 0.10.2.dev20260603
libtpu: 0.0.44.dev20260713+nightly
codegen_flags: <defaults>
</compile_context>

<pallas_src>
import functools

import jax
import jax.numpy as jnp
import numpy as np
from jax import lax
from jax.experimental import pallas as pl
from jax.experimental.pallas import tpu as pltpu
from jax.experimental.pallas import tpu_sc as plsc

B = 128
N = 100000
NB = 12544
NBLK = 8
CHPB = 2
NPAD = NB * NBLK
NW = 16
CH = NPAD // NW
CHV = CH // 16

def _fmix32(z: int) -> int:
    z &= 0xFFFFFFFF
    z ^= z >> 16
    z = (z * 0x85EBCA6B) & 0xFFFFFFFF
    z ^= z >> 13
    z = (z * 0xC2B2AE35) & 0xFFFFFFFF
    z ^= z >> 16
    return z

_SALT = 40 * 1000003 + 1
_U = [(_fmix32(b + _SALT) >> 8) * (2.0 ** -24) for b in range(B)]
_CAND = [b for b in range(B) if _U[b] >= 0.999]


def _p1_body(x_ref, a_ref, xc_ref, w_ref, ts_ref):
    i = pl.program_id(0)
    xb = x_ref[...]
    xc_ref[...] = xb
    ones = jnp.ones((1, B), jnp.float32)
    sm = jax.lax.dot_general(
        ones, jnp.abs(xb),
        dimension_numbers=(((1,), (1,)), ((), ())),
        preferred_element_type=jnp.float32)
    m = sm * (1.0 / B)
    lane = jax.lax.broadcasted_iota(jnp.int32, (1, NB), 1)
    valid = (i * NB + lane) < N
    a = jnp.where(valid, a_ref[...], 0.0)
    w = jnp.exp(-5.0 * (0.97 * a + 0.03 * m))
    w = jnp.where(valid, w, 0.0)
    w_ref[...] = w

    tlane = jax.lax.broadcasted_iota(jnp.int32, (1, NW + 16), 1)
    csum = jnp.where((tlane == NW) & (i == 0), w[0, 0], 0.0)
    for c in range(CHPB):
        sc = jnp.sum(w[:, c * CH:(c + 1) * CH])
        csum = csum + jnp.where(tlane == i * CHPB + c, sc, 0.0)

    @pl.when(i == 0)
    def _init():
        ts_ref[...] = csum

    @pl.when(i > 0)
    def _accum():
        ts_ref[...] = ts_ref[...] + csum


def _phase1(xt, activ):
    return pl.pallas_call(
        _p1_body,
        grid=(NBLK,),
        in_specs=[
            pl.BlockSpec((NB, B), lambda i: (i, 0)),
            pl.BlockSpec((1, NB), lambda i: (0, i)),
        ],
        out_specs=[
            pl.BlockSpec((NB, B), lambda i: (i, 0)),
            pl.BlockSpec((1, NB), lambda i: (0, i)),
            pl.BlockSpec((1, NW + 16), lambda i: (0, 0)),
        ],
        out_shape=[
            jax.ShapeDtypeStruct((N, B), jnp.float32),
            jax.ShapeDtypeStruct((1, NPAD), jnp.float32),
            jax.ShapeDtypeStruct((1, NW + 16), jnp.float32),
        ],
    )(xt, activ)


@functools.cache
def _sc_sample_kernel():
    mesh = plsc.VectorSubcoreMesh(
        core_axis_name="c", subcore_axis_name="s", num_cores=1)
    return pl.kernel(
        _sc_sample,
        mesh=mesh,
        out_type=jax.ShapeDtypeStruct((B,), jnp.int32),
        scratch_types=[
            pltpu.VMEM((CH,), jnp.float32),
            pltpu.VMEM((NW + 16,), jnp.float32),
            pltpu.VMEM((B,), jnp.int32),
        ],
    )


def _vsum16(v):
    s = v[0]
    for l in range(1, 16):
        s = s + v[l]
    return s


def _vsel(v, idx, iota16, zero):
    return _vsum16(jnp.where(iota16 == idx, v, zero))


def _excl_prefix(v, iota16):
    run = v[0] * 0.0
    p = jnp.zeros((16,), jnp.float32)
    for l in range(16):
        p = jnp.where(iota16 == l, run, p)
        run = run + v[l]
    return p


def _count_lt(p, t):
    ones = jnp.where(p < t, 1, 0)
    return _vsum16(ones)


_UNR = 8


def _sc_sample(w_hbm, ts_hbm, r_hbm, schunk_v, f32s_v, rstage_v):
    wid = lax.axis_index("s")
    iota16 = lax.iota(jnp.int32, 16)
    zf = jnp.zeros((16,), jnp.float32)

    @pl.when(wid == 0)
    def _tile0():
        pltpu.sync_copy(ts_hbm, f32s_v)
        ts = f32s_v[pl.ds(0, 16)]
        ac0 = f32s_v[pl.ds(16, 16)][0]
        s_tot = _vsum16(ts)
        w0 = 999.0 * s_tot
        t_tot = 1000.0 * s_tot - ac0
        ts_adj = ts - jnp.where(iota16 == 0, ac0, 0.0)
        pc = _excl_prefix(ts_adj, iota16)

        for v in range(B // 16):
            rstage_v[pl.ds(v * 16, 16)] = jnp.zeros((16,), jnp.int32)

        for b in _CAND:
            target = np.float32(_U[b]) * t_tot

            @pl.when(target >= w0)
            def _search(b=b, target=target, w0=w0, pc=pc, ac0=ac0):
                t2 = target - w0
                j_star = jnp.clip(_count_lt(pc, t2) - 1, 0, NW - 1)
                rem = t2 - _vsel(pc, j_star, iota16, zf)
                pltpu.sync_copy(w_hbm.at[pl.ds(j_star * CH, CH)], schunk_v)

                def _load(k):
                    wv = schunk_v[pl.ds(k * 16, 16)]
                    gp = j_star * CH + k * 16 + iota16
                    return jnp.where(gp == 0, 0.0, wv)

                def _tot(k, a):
                    for u in range(_UNR):
                        a = a + _load(k * _UNR + u)
                    return a

                lane_tot = lax.fori_loop(0, CHV // _UNR, _tot, zf)
                pl_lane = _excl_prefix(lane_tot, iota16)
                l_star = jnp.clip(_count_lt(pl_lane, rem) - 1, 0, 15)
                rem_lane = rem - pl_lane

                def _scan(k, c):
                    run, fk = c
                    for u in range(_UNR):
                        ku = k * _UNR + u
                        run = run + _load(ku)
                        newly = (run >= rem_lane) & (fk < 0)
                        fk = jnp.where(newly, ku, fk)
                    return run, fk

                _, fk = lax.fori_loop(
                    0, CHV // _UNR, _scan,
                    (zf, jnp.full((16,), -1, jnp.int32)))
                zi = jnp.zeros((16,), jnp.int32)
                k_star = _vsel(fk, l_star, iota16, zi)
                k_star = jnp.where(k_star < 0, CHV - 1, k_star)
                r_b = jnp.minimum(
                    j_star * CH + k_star * 16 + l_star, N - 1)
                slot = b // 16
                vec = rstage_v[pl.ds(slot * 16, 16)]
                rstage_v[pl.ds(slot * 16, 16)] = jnp.where(
                    iota16 == (b % 16), r_b, vec)

        pltpu.sync_copy(rstage_v, r_hbm)


def _p3_body(x_ref, r_ref, std_ref, out_ref, buf, sem):
    del x_ref

    for b in _CAND:
        rb = r_ref[b]

        @pl.when(rb > 0)
        def _():
            rs = (rb // 8) * 8
            ro = rb - rs
            cp = pltpu.make_async_copy(
                out_ref.at[pl.ds(rs, 8), pl.ds(0, B)], buf, sem)
            cp.start()
            cp.wait()
            subl = jax.lax.broadcasted_iota(jnp.int32, (8, B), 0)
            lane = jax.lax.broadcasted_iota(jnp.int32, (8, B), 1)
            buf[...] = buf[...] + jnp.where(
                (subl == ro) & (lane == b), std_ref[0], 0.0)
            cp2 = pltpu.make_async_copy(
                buf, out_ref.at[pl.ds(rs, 8), pl.ds(0, B)], sem)
            cp2.start()
            cp2.wait()


def _phase3(xct, r, stdv):
    return pl.pallas_call(
        _p3_body,
        in_specs=[
            pl.BlockSpec(memory_space=pltpu.MemorySpace.HBM),
            pl.BlockSpec(memory_space=pltpu.MemorySpace.SMEM),
            pl.BlockSpec(memory_space=pltpu.MemorySpace.SMEM),
        ],
        out_specs=pl.BlockSpec(memory_space=pltpu.MemorySpace.HBM),
        out_shape=jax.ShapeDtypeStruct((N, B), jnp.float32),
        scratch_shapes=[pltpu.VMEM((8, B), jnp.float32),
                        pltpu.SemaphoreType.DMA],
        input_output_aliases={0: 0},
    )(xct, r, stdv)


def kernel(x, activ, std):
    xt = jnp.swapaxes(x.reshape(B, N), 0, 1)
    xct, wpad, ts = _phase1(xt, activ)
    r = _sc_sample_kernel()(wpad.reshape(NPAD), ts.reshape(NW + 16))
    stdv = jnp.asarray(std, jnp.float32).reshape(1)
    outt = _phase3(xct, r, stdv)
    return jnp.swapaxes(outt, 0, 1).reshape(B, 1, N)

# --- scband reference (transcript-rebuilt; emitter-appended) ---
"""Pipeline reference for scband-straight-through-normal-48112223650325 (READ-ONLY COPY).

The authoritative reference and input builder live on the scoring server;
editing this copy changes nothing except your own understanding.
"""

import jax, jax.numpy as jnp
import numpy as np

B = 128
N = 100000

def setup_inputs(seed: int = 0) -> dict:
    key = jax.random.key(seed)
    kx = jax.random.fold_in(key, 0)
    x = jax.random.normal(kx, (B, 1, N), dtype=jnp.float32)
    activ = jnp.zeros((1, N), dtype=jnp.float32)  # registered buffer, initial state
    std = 1  # scalar noise magnitude
    return {"x": x, "activ": activ, "std": std}

def reference(x, activ, std):
    # buffer update: activ = 0.97*activ + 0.03*mean(|x|, dim=0)
    activ = 0.97 * activ + 0.03 * jnp.mean(jnp.abs(x), axis=0)
    # STNFunction.forward
    ac = jnp.squeeze(activ)                 # [N]
    ac = jnp.exp(-5.0 * ac)
    s = jnp.sum(ac)
    ac = ac.at[0].set(s * 999.0)
    # torch.multinomial(ac, batch_size, replacement=True) -> categorical over unnormalized weights
    logits = jnp.log(ac)
    r = jax.random.categorical(jax.random.key(1), logits, shape=(x.shape[0],))  # [B] int
    rows = jnp.arange(x.shape[0])
    x = x.at[rows, 0, r].add(std * (r > 0).astype(x.dtype))
    return x

if __name__ == "__main__":
    import jax
    _d = setup_inputs()
    print(jax.jit(kernel)(*tuple(_d.values())))

</pallas_src>

<mosaic_0001>
#map = affine_map<(d0, d1) -> (0)>
module attributes {stable_mosaic.version = 14 : i64} {
  func.func @_sc_sample(%arg0: i32, %arg1: i32, %arg2: memref<100352xf32, #tpu.memory_space<hbm>>, %arg3: memref<32xf32, #tpu.memory_space<hbm>>, %arg4: memref<128xi32, #tpu.memory_space<hbm>>, %arg5: memref<6272xf32, #tpu.memory_space<vmem>>, %arg6: memref<32xf32, #tpu.memory_space<vmem>>, %arg7: memref<128xi32, #tpu.memory_space<vmem>>) attributes {dimension_semantics = [#tpu.dimension_semantics<core_parallel>, #tpu.dimension_semantics<subcore_parallel>], iteration_bounds = array<i64: 1, 16>, scalar_prefetch = 0 : i64, scratch_operands = 3 : i64, tpu.core_type = #tpu.core_type<sc_vector_subcore>, window_params = [{transform_indices = #map}, {transform_indices = #map}, {transform_indices = #map}]} {
    %iota3A = tpu.iota {dimensions = array<i32: 0>} : vector<16xi32>
    %broadcast_in_dim3A = arith.constant 0.000000e+00 : f32
    %broadcast_in_dim3A_0 = vector.broadcast %broadcast_in_dim3A : f32 to vector<16xf32>
    %eq3A = arith.constant 0 : i32
    %eq3A_1 = arith.cmpi eq, %arg1, %eq3A : i32
    %convert_element_type3A = arith.extui %eq3A_1 : i1 to i32
    %cond3A = arith.constant 0 : i32
    %cond3A_2 = arith.cmpi ne, %convert_element_type3A, %cond3A : i32
    scf.if %cond3A_2 {
      "tpu.region"() ({
        %run_scoped3A = tpu.sem_alloc : memref<!tpu.dma_semaphore, #tpu.memory_space<semaphore_mem>>
        tpu.enqueue_dma source(%arg3 : memref<32xf32, #tpu.memory_space<hbm>>) target(%arg6 : memref<32xf32, #tpu.memory_space<vmem>>) target_semaphore(%run_scoped3A : memref<!tpu.dma_semaphore, #tpu.memory_space<semaphore_mem>>)
        tpu.wait_dma2 semaphore(%run_scoped3A : memref<!tpu.dma_semaphore, #tpu.memory_space<semaphore_mem>>) src(%arg3 : memref<32xf32, #tpu.memory_space<hbm>>) dst(%arg6 : memref<32xf32, #tpu.memory_space<vmem>>)
        tpu.yield
      }) : () -> ()
      %get3A = arith.constant 0 : index
      %get3A_3 = tpu.vector_load %arg6[%get3A] {strides = array<i32>} : memref<32xf32, #tpu.memory_space<vmem>>, vector<16xf32>,
      %get3A_4 = vector.shape_cast %get3A_3 : vector<16xf32> to vector<16xf32>
      %get3A_5 = arith.constant 16 : index
      %get3A_6 = tpu.vector_load %arg6[%get3A_5] {strides = array<i32>} : memref<32xf32, #tpu.memory_space<vmem>>, vector<16xf32>,
      %get3A_7 = vector.shape_cast %get3A_6 : vector<16xf32> to vector<16xf32>
      %slice3A = vector.extract_strided_slice %get3A_7 {offsets = [0], sizes = [1], strides = [1]} : vector<16xf32> to vector<1xf32>
      %squeeze3A = vector.extract %slice3A[0] : f32 from vector<1xf32>
      %slice3A_8 = vector.extract_strided_slice %get3A_4 {offsets = [0], sizes = [1], strides = [1]} : vector<16xf32> to vector<1xf32>
      %squeeze3A_9 = vector.extract %slice3A_8[0] : f32 from vector<1xf32>
      %slice3A_10 = vector.extract_strided_slice %get3A_4 {offsets = [1], sizes = [1], strides = [1]} : vector<16xf32> to vector<1xf32>
      %squeeze3A_11 = vector.extract %slice3A_10[0] : f32 from vector<1xf32>
      %add3A = arith.addf %squeeze3A_9, %squeeze3A_11 : f32
      %slice3A_12 = vector.extract_strided_slice %get3A_4 {offsets = [2], sizes = [1], strides = [1]} : vector<16xf32> to vector<1xf32>
      %squeeze3A_13 = vector.extract %slice3A_12[0] : f32 from vector<1xf32>
      %add3A_14 = arith.addf %add3A, %squeeze3A_13 : f32
      %slice3A_15 = vector.extract_strided_slice %get3A_4 {offsets = [3], sizes = [1], strides = [1]} : vector<16xf32> to vector<1xf32>
      %squeeze3A_16 = vector.extract %slice3A_15[0] : f32 from vector<1xf32>
      %add3A_17 = arith.addf %add3A_14, %squeeze3A_16 : f32
      %slice3A_18 = vector.extract_strided_slice %get3A_4 {offsets = [4], sizes = [1], strides = [1]} : vector<16xf32> to vector<1xf32>
      %squeeze3A_19 = vector.extract %slice3A_18[0] : f32 from vector<1xf32>
      %add3A_20 = arith.addf %add3A_17, %squeeze3A_19 : f32
      %slice3A_21 = vector.extract_strided_slice %get3A_4 {offsets = [5], sizes = [1], strides = [1]} : vector<16xf32> to vector<1xf32>
      %squeeze3A_22 = vector.extract %slice3A_21[0] : f32 from vector<1xf32>
      %add3A_23 = arith.addf %add3A_20, %squeeze3A_22 : f32
      %slice3A_24 = vector.extract_strided_slice %get3A_4 {offsets = [6], sizes = [1], strides = [1]} : vector<16xf32> to vector<1xf32>
      %squeeze3A_25 = vector.extract %slice3A_24[0] : f32 from vector<1xf32>
      %add3A_26 = arith.addf %add3A_23, %squeeze3A_25 : f32
      %slice3A_27 = vector.extract_strided_slice %get3A_4 {offsets = [7], sizes = [1], strides = [1]} : vector<16xf32> to vector<1xf32>
      %squeeze3A_28 = vector.extract %slice3A_27[0] : f32 from vector<1xf32>
      %add3A_29 = arith.addf %add3A_26, %squeeze3A_28 : f32
      %slice3A_30 = vector.extract_strided_slice %get3A_4 {offsets = [8], sizes = [1], strides = [1]} : vector<16xf32> to vector<1xf32>
      %squeeze3A_31 = vector.extract %slice3A_30[0] : f32 from vector<1xf32>
      %add3A_32 = arith.addf %add3A_29, %squeeze3A_31 : f32
      %slice3A_33 = vector.extract_strided_slice %get3A_4 {offsets = [9], sizes = [1], strides = [1]} : vector<16xf32> to vector<1xf32>
      %squeeze3A_34 = vector.extract %slice3A_33[0] : f32 from vector<1xf32>
      %add3A_35 = arith.addf %add3A_32, %squeeze3A_34 : f32
      %slice3A_36 = vector.extract_strided_slice %get3A_4 {offsets = [10], sizes = [1], strides = [1]} : vector<16xf32> to vector<1xf32>
      %squeeze3A_37 = vector.extract %slice3A_36[0] : f32 from vector<1xf32>
      %add3A_38 = arith.addf %add3A_35, %squeeze3A_37 : f32
      %slice3A_39 = vector.extract_strided_slice %get3A_4 {offsets = [11], sizes = [1], strides = [1]} : vector<16xf32> to vector<1xf32>
      %squeeze3A_40 = vector.extract %slice3A_39[0] : f32 from vector<1xf32>
      %add3A_41 = arith.addf %add3A_38, %squeeze3A_40 : f32
      %slice3A_42 = vector.extract_strided_slice %get3A_4 {offsets = [12], sizes = [1], strides = [1]} : vector<16xf32> to vector<1xf32>
      %squeeze3A_43 = vector.extract %slice3A_42[0] : f32 from vector<1xf32>
      %add3A_44 = arith.addf %add3A_41, %squeeze3A_43 : f32
      %slice3A_45 = vector.extract_strided_slice %get3A_4 {offsets = [13], sizes = [1], strides = [1]} : vector<16xf32> to vector<1xf32>
      %squeeze3A_46 = vector.extract %slice3A_45[0] : f32 from vector<1xf32>
      %add3A_47 = arith.addf %add3A_44, %squeeze3A_46 : f32
      %slice3A_48 = vector.extract_strided_slice %get3A_4 {offsets = [14], sizes = [1], strides = [1]} : vector<16xf32> to vector<1xf32>
      %squeeze3A_49 = vector.extract %slice3A_48[0] : f32 from vector<1xf32>
      %add3A_50 = arith.addf %add3A_47, %squeeze3A_49 : f32
      %slice3A_51 = vector.extract_strided_slice %get3A_4 {offsets = [15], sizes = [1], strides = [1]} : vector<16xf32> to vector<1xf32>
      %squeeze3A_52 = vector.extract %slice3A_51[0] : f32 from vector<1xf32>
      %add3A_53 = arith.addf %add3A_50, %squeeze3A_52 : f32
      %mul3A = arith.constant 9.990000e+02 : f32
      %mul3A_54 = arith.mulf %mul3A, %add3A_53 : f32
      %mul3A_55 = arith.constant 1.000000e+03 : f32
      %mul3A_56 = arith.mulf %mul3A_55, %add3A_53 : f32
      %sub3A = arith.subf %mul3A_56, %squeeze3A : f32
      %eq3A_57 = arith.constant 0 : i32
      %eq3A_58 = vector.broadcast %eq3A_57 : i32 to vector<16xi32>
      %eq3A_59 = arith.cmpi eq, %iota3A, %eq3A_58 : vector<16xi32>
      %jit3A = arith.constant 0.000000e+00 : f32
      %broadcast_in_dim3A_60 = vector.broadcast %squeeze3A : f32 to vector<16xf32>
      %broadcast_in_dim3A_61 = vector.broadcast %jit3A : f32 to vector<16xf32>
      %select_n3A = arith.select %eq3A_59, %broadcast_in_dim3A_60, %broadcast_in_dim3A_61 : vector<16xi1>, vector<16xf32>
      %sub3A_62 = arith.subf %get3A_4, %select_n3A : vector<16xf32>
      %slice3A_63 = vector.extract_strided_slice %sub3A_62 {offsets = [0], sizes = [1], strides = [1]} : vector<16xf32> to vector<1xf32>
      %squeeze3A_64 = vector.extract %slice3A_63[0] : f32 from vector<1xf32>
      %mul3A_65 = arith.constant 0.000000e+00 : f32
      %mul3A_66 = arith.mulf %squeeze3A_64, %mul3A_65 : f32
      %broadcast_in_dim3A_67 = arith.constant 0.000000e+00 : f32
      %broadcast_in_dim3A_68 = vector.broadcast %broadcast_in_dim3A_67 : f32 to vector<16xf32>
      %eq3A_69 = arith.constant 0 : i32
      %eq3A_70 = vector.broadcast %eq3A_69 : i32 to vector<16xi32>
      %eq3A_71 = arith.cmpi eq, %iota3A, %eq3A_70 : vector<16xi32>
      %broadcast_in_dim3A_72 = vector.broadcast %mul3A_66 : f32 to vector<16xf32>
      %select_n3A_73 = arith.select %eq3A_71, %broadcast_in_dim3A_72, %broadcast_in_dim3A_68 : vector<16xi1>, vector<16xf32>
      %slice3A_74 = vector.extract_strided_slice %sub3A_62 {offsets = [0], sizes = [1], strides = [1]} : vector<16xf32> to vector<1xf32>
      %squeeze3A_75 = vector.extract %slice3A_74[0] : f32 from vector<1xf32>
      %add3A_76 = arith.addf %mul3A_66, %squeeze3A_75 : f32
      %eq3A_77 = arith.constant 1 : i32
      %eq3A_78 = vector.broadcast %eq3A_77 : i32 to vector<16xi32>
      %eq3A_79 = arith.cmpi eq, %iota3A, %eq3A_78 : vector<16xi32>
      %broadcast_in_dim3A_80 = vector.broadcast %add3A_76 : f32 to vector<16xf32>
      %select_n3A_81 = arith.select %eq3A_79, %broadcast_in_dim3A_80, %select_n3A_73 : vector<16xi1>, vector<16xf32>
      %slice3A_82 = vector.extract_strided_slice %sub3A_62 {offsets = [1], sizes = [1], strides = [1]} : vector<16xf32> to vector<1xf32>
      %squeeze3A_83 = vector.extract %slice3A_82[0] : f32 from vector<1xf32>
      %add3A_84 = arith.addf %add3A_76, %squeeze3A_83 : f32
      %eq3A_85 = arith.constant 2 : i32
      %eq3A_86 = vector.broadcast %eq3A_85 : i32 to vector<16xi32>
      %eq3A_87 = arith.cmpi eq, %iota3A, %eq3A_86 : vector<16xi32>
      %broadcast_in_dim3A_88 = vector.broadcast %add3A_84 : f32 to vector<16xf32>
      %select_n3A_89 = arith.select %eq3A_87, %broadcast_in_dim3A_88, %select_n3A_81 : vector<16xi1>, vector<16xf32>
      %slice3A_90 = vector.extract_strided_slice %sub3A_62 {offsets = [2], sizes = [1], strides = [1]} : vector<16xf32> to vector<1xf32>
      %squeeze3A_91 = vector.extract %slice3A_90[0] : f32 from vector<1xf32>
      %add3A_92 = arith.addf %add3A_84, %squeeze3A_91 : f32
      %eq3A_93 = arith.constant 3 : i32
      %eq3A_94 = vector.broadcast %eq3A_93 : i32 to vector<16xi32>
      %eq3A_95 = arith.cmpi eq, %iota3A, %eq3A_94 : vector<16xi32>
      %broadcast_in_dim3A_96 = vector.broadcast %add3A_92 : f32 to vector<16xf32>
      %select_n3A_97 = arith.select %eq3A_95, %broadcast_in_dim3A_96, %select_n3A_89 : vector<16xi1>, vector<16xf32>
      %slice3A_98 = vector.extract_strided_slice %sub3A_62 {offsets = [3], sizes = [1], strides = [1]} : vector<16xf32> to vector<1xf32>
      %squeeze3A_99 = vector.extract %slice3A_98[0] : f32 from vector<1xf32>
      %add3A_100 = arith.addf %add3A_92, %squeeze3A_99 : f32
      %eq3A_101 = arith.constant 4 : i32
      %eq3A_102 = vector.broadcast %eq3A_101 : i32 to vector<16xi32>
      %eq3A_103 = arith.cmpi eq, %iota3A, %eq3A_102 : vector<16xi32>
      %broadcast_in_dim3A_104 = vector.broadcast %add3A_100 : f32 to vector<16xf32>
      %select_n3A_105 = arith.select %eq3A_103, %broadcast_in_dim3A_104, %select_n3A_97 : vector<16xi1>, vector<16xf32>
      %slice3A_106 = vector.extract_strided_slice %sub3A_62 {offsets = [4], sizes = [1], strides = [1]} : vector<16xf32> to vector<1xf32>
      %squeeze3A_107 = vector.extract %slice3A_106[0] : f32 from vector<1xf32>
      %add3A_108 = arith.addf %add3A_100, %squeeze3A_107 : f32
      %eq3A_109 = arith.constant 5 : i32
      %eq3A_110 = vector.broadcast %eq3A_109 : i32 to vector<16xi32>
      %eq3A_111 = arith.cmpi eq, %iota3A, %eq3A_110 : vector<16xi32>
      %broadcast_in_dim3A_112 = vector.broadcast %add3A_108 : f32 to vector<16xf32>
      %select_n3A_113 = arith.select %eq3A_111, %broadcast_in_dim3A_112, %select_n3A_105 : vector<16xi1>, vector<16xf32>
      %slice3A_114 = vector.extract_strided_slice %sub3A_62 {offsets = [5], sizes = [1], strides = [1]} : vector<16xf32> to vector<1xf32>
      %squeeze3A_115 = vector.extract %slice3A_114[0] : f32 from vector<1xf32>
      %add3A_116 = arith.addf %add3A_108, %squeeze3A_115 : f32
      %eq3A_117 = arith.constant 6 : i32
      %eq3A_118 = vector.broadcast %eq3A_117 : i32 to vector<16xi32>
      %eq3A_119 = arith.cmpi eq, %iota3A, %eq3A_118 : vector<16xi32>
      %broadcast_in_dim3A_120 = vector.broadcast %add3A_116 : f32 to vector<16xf32>
      %select_n3A_121 = arith.select %eq3A_119, %broadcast_in_dim3A_120, %select_n3A_113 : vector<16xi1>, vector<16xf32>
      %slice3A_122 = vector.extract_strided_slice %sub3A_62 {offsets = [6], sizes = [1], strides = [1]} : vector<16xf32> to vector<1xf32>
      %squeeze3A_123 = vector.extract %slice3A_122[0] : f32 from vector<1xf32>
      %add3A_124 = arith.addf %add3A_116, %squeeze3A_123 : f32
      %eq3A_125 = arith.constant 7 : i32
      %eq3A_126 = vector.broadcast %eq3A_125 : i32 to vector<16xi32>
      %eq3A_127 = arith.cmpi eq, %iota3A, %eq3A_126 : vector<16xi32>
      %broadcast_in_dim3A_128 = vector.broadcast %add3A_124 : f32 to vector<16xf32>
      %select_n3A_129 = arith.select %eq3A_127, %broadcast_in_dim3A_128, %select_n3A_121 : vector<16xi1>, vector<16xf32>
      %slice3A_130 = vector.extract_strided_slice %sub3A_62 {offsets = [7], sizes = [1], strides = [1]} : vector<16xf32> to vector<1xf32>
      %squeeze3A_131 = vector.extract %slice3A_130[0] : f32 from vector<1xf32>
      %add3A_132 = arith.addf %add3A_124, %squeeze3A_131 : f32
      %eq3A_133 = arith.constant 8 : i32
      %eq3A_134 = vector.broadcast %eq3A_133 : i32 to vector<16xi32>
      %eq3A_135 = arith.cmpi eq, %iota3A, %eq3A_134 : vector<16xi32>
      %broadcast_in_dim3A_136 = vector.broadcast %add3A_132 : f32 to vector<16xf32>
      %select_n3A_137 = arith.select %eq3A_135, %broadcast_in_dim3A_136, %select_n3A_129 : vector<16xi1>, vector<16xf32>
      %slice3A_138 = vector.extract_strided_slice %sub3A_62 {offsets = [8], sizes = [1], strides = [1]} : vector<16xf32> to vector<1xf32>
      %squeeze3A_139 = vector.extract %slice3A_138[0] : f32 from vector<1xf32>
      %add3A_140 = arith.addf %add3A_132, %squeeze3A_139 : f32
      %eq3A_141 = arith.constant 9 : i32
      %eq3A_142 = vector.broadcast %eq3A_141 : i32 to vector<16xi32>
      %eq3A_143 = arith.cmpi eq, %iota3A, %eq3A_142 : vector<16xi32>
      %broadcast_in_dim3A_144 = vector.broadcast %add3A_140 : f32 to vector<16xf32>
      %select_n3A_145 = arith.select %eq3A_143, %broadcast_in_dim3A_144, %select_n3A_137 : vector<16xi1>, vector<16xf32>
      %slice3A_146 = vector.extract_strided_slice %sub3A_62 {offsets = [9], sizes = [1], strides = [1]} : vector<16xf32> to vector<1xf32>
      %squeeze3A_147 = vector.extract %slice3A_146[0] : f32 from vector<1xf32>
      %add3A_148 = arith.addf %add3A_140, %squeeze3A_147 : f32
      %eq3A_149 = arith.constant 10 : i32
      %eq3A_150 = vector.broadcast %eq3A_149 : i32 to vector<16xi32>
      %eq3A_151 = arith.cmpi eq, %iota3A, %eq3A_150 : vector<16xi32>
      %broadcast_in_dim3A_152 = vector.broadcast %add3A_148 : f32 to vector<16xf32>
      %select_n3A_153 = arith.select %eq3A_151, %broadcast_in_dim3A_152, %select_n3A_145 : vector<16xi1>, vector<16xf32>
      %slice3A_154 = vector.extract_strided_slice %sub3A_62 {offsets = [10], sizes = [1], strides = [1]} : vector<16xf32> to vector<1xf32>
      %squeeze3A_155 = vector.extract %slice3A_154[0] : f32 from vector<1xf32>
      %add3A_156 = arith.addf %add3A_148, %squeeze3A_155 : f32
      %eq3A_157 = arith.constant 11 : i32
      %eq3A_158 = vector.broadcast %eq3A_157 : i32 to vector<16xi32>
      %eq3A_159 = arith.cmpi eq, %iota3A, %eq3A_158 : vector<16xi32>
      %broadcast_in_dim3A_160 = vector.broadcast %add3A_156 : f32 to vector<16xf32>
      %select_n3A_161 = arith.select %eq3A_159, %broadcast_in_dim3A_160, %select_n3A_153 : vector<16xi1>, vector<16xf32>
      %slice3A_162 = vector.extract_strided_slice %sub3A_62 {offsets = [11], sizes = [1], strides = [1]} : vector<16xf32> to vector<1xf32>
      %squeeze3A_163 = vector.extract %slice3A_162[0] : f32 from vector<1xf32>
      %add3A_164 = arith.addf %add3A_156, %squeeze3A_163 : f32
      %eq3A_165 = arith.constant 12 : i32
      %eq3A_166 = vector.broadcast %eq3A_165 : i32 to vector<16xi32>
      %eq3A_167 = arith.cmpi eq, %iota3A, %eq3A_166 : vector<16xi32>
      %broadcast_in_dim3A_168 = vector.broadcast %add3A_164 : f32 to vector<16xf32>
      %select_n3A_169 = arith.select %eq3A_167, %broadcast_in_dim3A_168, %select_n3A_161 : vector<16xi1>, vector<16xf32>
      %slice3A_170 = vector.extract_strided_slice %sub3A_62 {offsets = [12], sizes = [1], strides = [1]} : vector<16xf32> to vector<1xf32>
      %squeeze3A_171 = vector.extract %slice3A_170[0] : f32 from vector<1xf32>
      %add3A_172 = arith.addf %add3A_164, %squeeze3A_171 : f32
      %eq3A_173 = arith.constant 13 : i32
      %eq3A_174 = vector.broadcast %eq3A_173 : i32 to vector<16xi32>
      %eq3A_175 = arith.cmpi eq, %iota3A, %eq3A_174 : vector<16xi32>
      %broadcast_in_dim3A_176 = vector.broadcast %add3A_172 : f32 to vector<16xf32>
      %select_n3A_177 = arith.select %eq3A_175, %broadcast_in_dim3A_176, %select_n3A_169 : vector<16xi1>, vector<16xf32>
      %slice3A_178 = vector.extract_strided_slice %sub3A_62 {offsets = [13], sizes = [1], strides = [1]} : vector<16xf32> to vector<1xf32>
      %squeeze3A_179 = vector.extract %slice3A_178[0] : f32 from vector<1xf32>
      %add3A_180 = arith.addf %add3A_172, %squeeze3A_179 : f32
      %eq3A_181 = arith.constant 14 : i32
      %eq3A_182 = vector.broadcast %eq3A_181 : i32 to vector<16xi32>
      %eq3A_183 = arith.cmpi eq, %iota3A, %eq3A_182 : vector<16xi32>
      %broadcast_in_dim3A_184 = vector.broadcast %add3A_180 : f32 to vector<16xf32>
      %select_n3A_185 = arith.select %eq3A_183, %broadcast_in_dim3A_184, %select_n3A_177 : vector<16xi1>, vector<16xf32>
      %slice3A_186 = vector.extract_strided_slice %sub3A_62 {offsets = [14], sizes = [1], strides = [1]} : vector<16xf32> to vector<1xf32>
      %squeeze3A_187 = vector.extract %slice3A_186[0] : f32 from vector<1xf32>
      %add3A_188 = arith.addf %add3A_180, %squeeze3A_187 : f32
      %eq3A_189 = arith.constant 15 : i32
      %eq3A_190 = vector.broadcast %eq3A_189 : i32 to vector<16xi32>
      %eq3A_191 = arith.cmpi eq, %iota3A, %eq3A_190 : vector<16xi32>
      %broadcast_in_dim3A_192 = vector.broadcast %add3A_188 : f32 to vector<16xf32>
      %select_n3A_193 = arith.select %eq3A_191, %broadcast_in_dim3A_192, %select_n3A_185 : vector<16xi1>, vector<16xf32>
      %slice3A_194 = vector.extract_strided_slice %sub3A_62 {offsets = [15], sizes = [1], strides = [1]} : vector<16xf32> to vector<1xf32>
      %squeeze3A_195 = vector.extract %slice3A_194[0] : f32 from vector<1xf32>
      %add3A_196 = arith.addf %add3A_188, %squeeze3A_195 : f32
      %broadcast_in_dim3A_197 = arith.constant 0 : i32
      %broadcast_in_dim3A_198 = vector.broadcast %broadcast_in_dim3A_197 : i32 to vector<16xi32>
      %swap3A = arith.constant 0 : index
      %swap3A_199 = tpu.vector_load %arg7[%swap3A] {strides = array<i32>} : memref<128xi32, #tpu.memory_space<vmem>>, vector<16xi32>,
      %swap3A_200 = vector.shape_cast %swap3A_199 : vector<16xi32> to vector<16xi32>
      %swap3A_201 = vector.shape_cast %broadcast_in_dim3A_198 : vector<16xi32> to vector<16xi32>
      tpu.vector_store %arg7[%swap3A], %swap3A_201 {strides = array<i32>} : memref<128xi32, #tpu.memory_space<vmem>>, vector<16xi32>,
      %broadcast_in_dim3A_202 = arith.constant 0 : i32
      %broadcast_in_dim3A_203 = vector.broadcast %broadcast_in_dim3A_202 : i32 to vector<16xi32>
      %swap3A_204 = arith.constant 16 : index
      %swap3A_205 = tpu.vector_load %arg7[%swap3A_204] {strides = array<i32>} : memref<128xi32, #tpu.memory_space<vmem>>, vector<16xi32>,
      %swap3A_206 = vector.shape_cast %swap3A_205 : vector<16xi32> to vector<16xi32>
      %swap3A_207 = vector.shape_cast %broadcast_in_dim3A_203 : vector<16xi32> to vector<16xi32>
      tpu.vector_store %arg7[%swap3A_204], %swap3A_207 {strides = array<i32>} : memref<128xi32, #tpu.memory_space<vmem>>, vector<16xi32>,
      %broadcast_in_dim3A_208 = arith.constant 0 : i32
      %broadcast_in_dim3A_209 = vector.broadcast %broadcast_in_dim3A_208 : i32 to vector<16xi32>
      %swap3A_210 = arith.constant 32 : index
      %swap3A_211 = tpu.vector_load %arg7[%swap3A_210] {strides = array<i32>} : memref<128xi32, #tpu.memory_space<vmem>>, vector<16xi32>,
      %swap3A_212 = vector.shape_cast %swap3A_211 : vector<16xi32> to vector<16xi32>
      %swap3A_213 = vector.shape_cast %broadcast_in_dim3A_209 : vector<16xi32> to vector<16xi32>
      tpu.vector_store %arg7[%swap3A_210], %swap3A_213 {strides = array<i32>} : memref<128xi32, #tpu.memory_space<vmem>>, vector<16xi32>,
      %broadcast_in_dim3A_214 = arith.constant 0 : i32
      %broadcast_in_dim3A_215 = vector.broadcast %broadcast_in_dim3A_214 : i32 to vector<16xi32>
      %swap3A_216 = arith.constant 48 : index
      %swap3A_217 = tpu.vector_load %arg7[%swap3A_216] {strides = array<i32>} : memref<128xi32, #tpu.memory_space<vmem>>, vector<16xi32>,
      %swap3A_218 = vector.shape_cast %swap3A_217 : vector<16xi32> to vector<16xi32>
      %swap3A_219 = vector.shape_cast %broadcast_in_dim3A_215 : vector<16xi32> to vector<16xi32>
      tpu.vector_store %arg7[%swap3A_216], %swap3A_219 {strides = array<i32>} : memref<128xi32, #tpu.memory_space<vmem>>, vector<16xi32>,
      %broadcast_in_dim3A_220 = arith.constant 0 : i32
      %broadcast_in_dim3A_221 = vector.broadcast %broadcast_in_dim3A_220 : i32 to vector<16xi32>
      %swap3A_222 = arith.constant 64 : index
      %swap3A_223 = tpu.vector_load %arg7[%swap3A_222] {strides = array<i32>} : memref<128xi32, #tpu.memory_space<vmem>>, vector<16xi32>,
      %swap3A_224 = vector.shape_cast %swap3A_223 : vector<16xi32> to vector<16xi32>
      %swap3A_225 = vector.shape_cast %broadcast_in_dim3A_221 : vector<16xi32> to vector<16xi32>
      tpu.vector_store %arg7[%swap3A_222], %swap3A_225 {strides = array<i32>} : memref<128xi32, #tpu.memory_space<vmem>>, vector<16xi32>,
      %broadcast_in_dim3A_226 = arith.constant 0 : i32
      %broadcast_in_dim3A_227 = vector.broadcast %broadcast_in_dim3A_226 : i32 to vector<16xi32>
      %swap3A_228 = arith.constant 80 : index
      %swap3A_229 = tpu.vector_load %arg7[%swap3A_228] {strides = array<i32>} : memref<128xi32, #tpu.memory_space<vmem>>, vector<16xi32>,
      %swap3A_230 = vector.shape_cast %swap3A_229 : vector<16xi32> to vector<16xi32>
      %swap3A_231 = vector.shape_cast %broadcast_in_dim3A_227 : vector<16xi32> to vector<16xi32>
      tpu.vector_store %arg7[%swap3A_228], %swap3A_231 {strides = array<i32>} : memref<128xi32, #tpu.memory_space<vmem>>, vector<16xi32>,
      %broadcast_in_dim3A_232 = arith.constant 0 : i32
      %broadcast_in_dim3A_233 = vector.broadcast %broadcast_in_dim3A_232 : i32 to vector<16xi32>
      %swap3A_234 = arith.constant 96 : index
      %swap3A_235 = tpu.vector_load %arg7[%swap3A_234] {strides = array<i32>} : memref<128xi32, #tpu.memory_space<vmem>>, vector<16xi32>,
      %swap3A_236 = vector.shape_cast %swap3A_235 : vector<16xi32> to vector<16xi32>
      %swap3A_237 = vector.shape_cast %broadcast_in_dim3A_233 : vector<16xi32> to vector<16xi32>
      tpu.vector_store %arg7[%swap3A_234], %swap3A_237 {strides = array<i32>} : memref<128xi32, #tpu.memory_space<vmem>>, vector<16xi32>,
      %broadcast_in_dim3A_238 = arith.constant 0 : i32
      %broadcast_in_dim3A_239 = vector.broadcast %broadcast_in_dim3A_238 : i32 to vector<16xi32>
      %swap3A_240 = arith.constant 112 : index
      %swap3A_241 = tpu.vector_load %arg7[%swap3A_240] {strides = array<i32>} : memref<128xi32, #tpu.memory_space<vmem>>, vector<16xi32>,
      %swap3A_242 = vector.shape_cast %swap3A_241 : vector<16xi32> to vector<16xi32>
      %swap3A_243 = vector.shape_cast %broadcast_in_dim3A_239 : vector<16xi32> to vector<16xi32>
      tpu.vector_store %arg7[%swap3A_240], %swap3A_243 {strides = array<i32>} : memref<128xi32, #tpu.memory_space<vmem>>, vector<16xi32>,
      %mul3A_244 = arith.constant 9.996330e-01 : f32
      %mul3A_245 = arith.mulf %mul3A_244, %sub3A : f32
      %ge3A = arith.cmpf oge, %mul3A_245, %mul3A_54 : f32
      %convert_element_type3A_246 = arith.extui %ge3A : i1 to i32
      %cond3A_247 = arith.constant 0 : i32
      %cond3A_248 = arith.cmpi ne, %convert_element_type3A_246, %cond3A_247 : i32
      scf.if %cond3A_248 {
        %sub3A_249 = arith.subf %mul3A_245, %mul3A_54 : f32
        %lt3A = vector.broadcast %sub3A_249 : f32 to vector<16xf32>
        %lt3A_250 = arith.cmpf olt, %select_n3A_193, %lt3A : vector<16xf32>
        %jit3A_251 = arith.constant 1 : i32
        %jit3A_252 = arith.constant 0 : i32
        %broadcast_in_dim3A_253 = vector.broadcast %jit3A_251 : i32 to vector<16xi32>
        %broadcast_in_dim3A_254 = vector.broadcast %jit3A_252 : i32 to vector<16xi32>
        %select_n3A_255 = arith.select %lt3A_250, %broadcast_in_dim3A_253, %broadcast_in_dim3A_254 : vector<16xi1>, vector<16xi32>
        %slice3A_256 = vector.extract_strided_slice %select_n3A_255 {offsets = [0], sizes = [1], strides = [1]} : vector<16xi32> to vector<1xi32>
        %squeeze3A_257 = vector.extract %slice3A_256[0] : i32 from vector<1xi32>
        %slice3A_258 = vector.extract_strided_slice %select_n3A_255 {offsets = [1], sizes = [1], strides = [1]} : vector<16xi32> to vector<1xi32>
        %squeeze3A_259 = vector.extract %slice3A_258[0] : i32 from vector<1xi32>
        %add3A_260 = arith.addi %squeeze3A_257, %squeeze3A_259 : i32
        %slice3A_261 = vector.extract_strided_slice %select_n3A_255 {offsets = [2], sizes = [1], strides = [1]} : vector<16xi32> to vector<1xi32>
        %squeeze3A_262 = vector.extract %slice3A_261[0] : i32 from vector<1xi32>
        %add3A_263 = arith.addi %add3A_260, %squeeze3A_262 : i32
        %slice3A_264 = vector.extract_strided_slice %select_n3A_255 {offsets = [3], sizes = [1], strides = [1]} : vector<16xi32> to vector<1xi32>
        %squeeze3A_265 = vector.extract %slice3A_264[0] : i32 from vector<1xi32>
        %add3A_266 = arith.addi %add3A_263, %squeeze3A_265 : i32
        %slice3A_267 = vector.extract_strided_slice %select_n3A_255 {offsets = [4], sizes = [1], strides = [1]} : vector<16xi32> to vector<1xi32>
        %squeeze3A_268 = vector.extract %slice3A_267[0] : i32 from vector<1xi32>
        %add3A_269 = arith.addi %add3A_266, %squeeze3A_268 : i32
        %slice3A_270 = vector.extract_strided_slice %select_n3A_255 {offsets = [5], sizes = [1], strides = [1]} : vector<16xi32> to vector<1xi32>
        %squeeze3A_271 = vector.extract %slice3A_270[0] : i32 from vector<1xi32>
        %add3A_272 = arith.addi %add3A_269, %squeeze3A_271 : i32
        %slice3A_273 = vector.extract_strided_slice %select_n3A_255 {offsets = [6], sizes = [1], strides = [1]} : vector<16xi32> to vector<1xi32>
        %squeeze3A_274 = vector.extract %slice3A_273[0] : i32 from vector<1xi32>
        %add3A_275 = arith.addi %add3A_272, %squeeze3A_274 : i32
        %slice3A_276 = vector.extract_strided_slice %select_n3A_255 {offsets = [7], sizes = [1], strides = [1]} : vector<16xi32> to vector<1xi32>
        %squeeze3A_277 = vector.extract %slice3A_276[0] : i32 from vector<1xi32>
        %add3A_278 = arith.addi %add3A_275, %squeeze3A_277 : i32
        %slice3A_279 = vector.extract_strided_slice %select_n3A_255 {offsets = [8], sizes = [1], strides = [1]} : vector<16xi32> to vector<1xi32>
        %squeeze3A_280 = vector.extract %slice3A_279[0] : i32 from vector<1xi32>
        %add3A_281 = arith.addi %add3A_278, %squeeze3A_280 : i32
        %slice3A_282 = vector.extract_strided_slice %select_n3A_255 {offsets = [9], sizes = [1], strides = [1]} : vector<16xi32> to vector<1xi32>
        %squeeze3A_283 = vector.extract %slice3A_282[0] : i32 from vector<1xi32>
        %add3A_284 = arith.addi %add3A_281, %squeeze3A_283 : i32
        %slice3A_285 = vector.extract_strided_slice %select_n3A_255 {offsets = [10], sizes = [1], strides = [1]} : vector<16xi32> to vector<1xi32>
        %squeeze3A_286 = vector.extract %slice3A_285[0] : i32 from vector<1xi32>
        %add3A_287 = arith.addi %add3A_284, %squeeze3A_286 : i32
        %slice3A_288 = vector.extract_strided_slice %select_n3A_255 {offsets = [11], sizes = [1], strides = [1]} : vector<16xi32> to vector<1xi32>
        %squeeze3A_289 = vector.extract %slice3A_288[0] : i32 from vector<1xi32>
        %add3A_290 = arith.addi %add3A_287, %squeeze3A_289 : i32
        %slice3A_291 = vector.extract_strided_slice %select_n3A_255 {offsets = [12], sizes = [1], strides = [1]} : vector<16xi32> to vector<1xi32>
        %squeeze3A_292 = vector.extract %slice3A_291[0] : i32 from vector<1xi32>
        %add3A_293 = arith.addi %add3A_290, %squeeze3A_292 : i32
        %slice3A_294 = vector.extract_strided_slice %select_n3A_255 {offsets = [13], sizes = [1], strides = [1]} : vector<16xi32> to vector<1xi32>
        %squeeze3A_295 = vector.extract %slice3A_294[0] : i32 from vector<1xi32>
        %add3A_296 = arith.addi %add3A_293, %squeeze3A_295 : i32
        %slice3A_297 = vector.extract_strided_slice %select_n3A_255 {offsets = [14], sizes = [1], strides = [1]} : vector<16xi32> to vector<1xi32>
        %squeeze3A_298 = vector.extract %slice3A_297[0] : i32 from vector<1xi32>
        %add3A_299 = arith.addi %add3A_296, %squeeze3A_298 : i32
        %slice3A_300 = vector.extract_strided_slice %select_n3A_255 {offsets = [15], sizes = [1], strides = [1]} : vector<16xi32> to vector<1xi32>
        %squeeze3A_301 = vector.extract %slice3A_300[0] : i32 from vector<1xi32>
        %add3A_302 = arith.addi %add3A_299, %squeeze3A_301 : i32
        %sub3A_303 = arith.constant 1 : i32
        %sub3A_304 = arith.subi %add3A_302, %sub3A_303 : i32
        %jit3A_305 = arith.constant 0 : i32
        %jit3A_306 = arith.constant 15 : i32
        %max3A = arith.maxsi %jit3A_305, %sub3A_304 : i32
        %min3A = arith.minsi %jit3A_306, %max3A : i32
        %eq3A_307 = vector.broadcast %min3A : i32 to vector<16xi32>
        %eq3A_308 = arith.cmpi eq, %iota3A, %eq3A_307 : vector<16xi32>
        %select_n3A_309 = arith.select %eq3A_308, %select_n3A_193, %broadcast_in_dim3A_0 : vector<16xi1>, vector<16xf32>
        %slice3A_310 = vector.extract_strided_slice %select_n3A_309 {offsets = [0], sizes = [1], strides = [1]} : vector<16xf32> to vector<1xf32>
        %squeeze3A_311 = vector.extract %slice3A_310[0] : f32 from vector<1xf32>
        %slice3A_312 = vector.extract_strided_slice %select_n3A_309 {offsets = [1], sizes = [1], strides = [1]} : vector<16xf32> to vector<1xf32>
        %squeeze3A_313 = vector.extract %slice3A_312[0] : f32 from vector<1xf32>
        %add3A_314 = arith.addf %squeeze3A_311, %squeeze3A_313 : f32
        %slice3A_315 = vector.extract_strided_slice %select_n3A_309 {offsets = [2], sizes = [1], strides = [1]} : vector<16xf32> to vector<1xf32>
        %squeeze3A_316 = vector.extract %slice3A_315[0] : f32 from vector<1xf32>
        %add3A_317 = arith.addf %add3A_314, %squeeze3A_316 : f32
        %slice3A_318 = vector.extract_strided_slice %select_n3A_309 {offsets = [3], sizes = [1], strides = [1]} : vector<16xf32> to vector<1xf32>
        %squeeze3A_319 = vector.extract %slice3A_318[0] : f32 from vector<1xf32>
        %add3A_320 = arith.addf %add3A_317, %squeeze3A_319 : f32
        %slice3A_321 = vector.extract_strided_slice %select_n3A_309 {offsets = [4], sizes = [1], strides = [1]} : vector<16xf32> to vector<1xf32>
        %squeeze3A_322 = vector.extract %slice3A_321[0] : f32 from vector<1xf32>
        %add3A_323 = arith.addf %add3A_320, %squeeze3A_322 : f32
        %slice3A_324 = vector.extract_strided_slice %select_n3A_309 {offsets = [5], sizes = [1], strides = [1]} : vector<16xf32> to vector<1xf32>
        %squeeze3A_325 = vector.extract %slice3A_324[0] : f32 from vector<1xf32>
        %add3A_326 = arith.addf %add3A_323, %squeeze3A_325 : f32
        %slice3A_327 = vector.extract_strided_slice %select_n3A_309 {offsets = [6], sizes = [1], strides = [1]} : vector<16xf32> to vector<1xf32>
        %squeeze3A_328 = vector.extract %slice3A_327[0] : f32 from vector<1xf32>
        %add3A_329 = arith.addf %add3A_326, %squeeze3A_328 : f32
        %slice3A_330 = vector.extract_strided_slice %select_n3A_309 {offsets = [7], sizes = [1], strides = [1]} : vector<16xf32> to vector<1xf32>
        %squeeze3A_331 = vector.extract %slice3A_330[0] : f32 from vector<1xf32>
        %add3A_332 = arith.addf %add3A_329, %squeeze3A_331 : f32
        %slice3A_333 = vector.extract_strided_slice %select_n3A_309 {offsets = [8], sizes = [1], strides = [1]} : vector<16xf32> to vector<1xf32>
        %squeeze3A_334 = vector.extract %slice3A_333[0] : f32 from vector<1xf32>
        %add3A_335 = arith.addf %add3A_332, %squeeze3A_334 : f32
        %slice3A_336 = vector.extract_strided_slice %select_n3A_309 {offsets = [9], sizes = [1], strides = [1]} : vector<16xf32> to vector<1xf32>
        %squeeze3A_337 = vector.extract %slice3A_336[0] : f32 from vector<1xf32>
        %add3A_338 = arith.addf %add3A_335, %squeeze3A_337 : f32
        %slice3A_339 = vector.extract_strided_slice %select_n3A_309 {offsets = [10], sizes = [1], strides = [1]} : vector<16xf32> to vector<1xf32>
        %squeeze3A_340 = vector.extract %slice3A_339[0] : f32 from vector<1xf32>
        %add3A_341 = arith.addf %add3A_338, %squeeze3A_340 : f32
        %slice3A_342 = vector.extract_strided_slice %select_n3A_309 {offsets = [11], sizes = [1], strides = [1]} : vector<16xf32> to vector<1xf32>
        %squeeze3A_343 = vector.extract %slice3A_342[0] : f32 from vector<1xf32>
        %add3A_344 = arith.addf %add3A_341, %squeeze3A_343 : f32
        %slice3A_345 = vector.extract_strided_slice %select_n3A_309 {offsets = [12], sizes = [1], strides = [1]} : vector<16xf32> to vector<1xf32>
        %squeeze3A_346 = vector.extract %slice3A_345[0] : f32 from vector<1xf32>
        %add3A_347 = arith.addf %add3A_344, %squeeze3A_346 : f32
        %slice3A_348 = vector.extract_strided_slice %select_n3A_309 {offsets = [13], sizes = [1], strides = [1]} : vector<16xf32> to vector<1xf32>
        %squeeze3A_349 = vector.extract %slice3A_348[0] : f32 from vector<1xf32>
        %add3A_350 = arith.addf %add3A_347, %squeeze3A_349 : f32
        %slice3A_351 = vector.extract_strided_slice %select_n3A_309 {offsets = [14], sizes = [1], strides = [1]} : vector<16xf32> to vector<1xf32>
        %squeeze3A_352 = vector.extract %slice3A_351[0] : f32 from vector<1xf32>
        %add3A_353 = arith.addf %add3A_350, %squeeze3A_352 : f32
        %slice3A_354 = vector.extract_strided_slice %select_n3A_309 {offsets = [15], sizes = [1], strides = [1]} : vector<16xf32> to vector<1xf32>
        %squeeze3A_355 = vector.extract %slice3A_354[0] : f32 from vector<1xf32>
        %add3A_356 = arith.addf %add3A_353, %squeeze3A_355 : f32
        %sub3A_357 = arith.subf %sub3A_249, %add3A_356 : f32
        %mul3A_358 = arith.constant 6272 : i32
        %mul3A_359 = arith.muli %min3A, %mul3A_358 : i32
        "tpu.region"() ({
          %run_scoped3A = tpu.sem_alloc : memref<!tpu.dma_semaphore, #tpu.memory_space<semaphore_mem>>
          %dma_start3A = tpu.memref_slice %arg2[%mul3A_359] : memref<100352xf32, #tpu.memory_space<hbm>> -> memref<6272xf32, #tpu.memory_space<hbm>>
          %dma_start3A_645 = tpu.memref_slice %arg2[%mul3A_359] : memref<100352xf32, #tpu.memory_space<hbm>> -> memref<6272xf32, #tpu.memory_space<hbm>>
          tpu.enqueue_dma source(%dma_start3A_645 : memref<6272xf32, #tpu.memory_space<hbm>>) target(%arg5 : memref<6272xf32, #tpu.memory_space<vmem>>) target_semaphore(%run_scoped3A : memref<!tpu.dma_semaphore, #tpu.memory_space<semaphore_mem>>)
          %dma_wait3A = tpu.memref_slice %arg2[%mul3A_359] : memref<100352xf32, #tpu.memory_space<hbm>> -> memref<6272xf32, #tpu.memory_space<hbm>>
          %dma_wait3A_646 = tpu.memref_slice %arg2[%mul3A_359] : memref<100352xf32, #tpu.memory_space<hbm>> -> memref<6272xf32, #tpu.memory_space<hbm>>
          tpu.wait_dma2 semaphore(%run_scoped3A : memref<!tpu.dma_semaphore, #tpu.memory_space<semaphore_mem>>) src(%dma_wait3A_646 : memref<6272xf32, #tpu.memory_space<hbm>>) dst(%arg5 : memref<6272xf32, #tpu.memory_space<vmem>>)
          tpu.yield
        }) : () -> ()
        %scan3A = arith.constant 0 : i32
        %scan3A_360 = arith.constant 49 : i32
        %scan3A_361 = arith.addi %scan3A, %scan3A_360 : i32
        %scan3A_362 = arith.constant 1 : i32
        %scan3A_363 = scf.for %scan3A_645 = %scan3A to %scan3A_361 step %scan3A_362 iter_args(%scan3A_646 = %broadcast_in_dim3A_0) -> (vector<16xf32>)  : i32 {
          %mul3A_647 = arith.constant 8 : i32
          %mul3A_648 = arith.muli %scan3A_645, %mul3A_647 : i32
          %add3A_649 = arith.constant 0 : i32
          %add3A_650 = arith.addi %mul3A_648, %add3A_649 : i32
          %mul3A_651 = arith.constant 16 : i32
          %mul3A_652 = arith.muli %add3A_650, %mul3A_651 : i32
          %get3A_653 = arith.index_cast %mul3A_652 : i32 to index
          %get3A_654 = tpu.vector_load %arg5[%get3A_653] {strides = array<i32>} : memref<6272xf32, #tpu.memory_space<vmem>>, vector<16xf32>,
          %get3A_655 = vector.shape_cast %get3A_654 : vector<16xf32> to vector<16xf32>
          %mul3A_656 = arith.constant 6272 : i32
          %mul3A_657 = arith.muli %min3A, %mul3A_656 : i32
          %mul3A_658 = arith.constant 16 : i32
          %mul3A_659 = arith.muli %add3A_650, %mul3A_658 : i32
          %add3A_660 = arith.addi %mul3A_657, %mul3A_659 : i32
          %add3A_661 = vector.broadcast %add3A_660 : i32 to vector<16xi32>
          %add3A_662 = arith.addi %add3A_661, %iota3A : vector<16xi32>
          %eq3A_663 = arith.constant 0 : i32
          %eq3A_664 = vector.broadcast %eq3A_663 : i32 to vector<16xi32>
          %eq3A_665 = arith.cmpi eq, %add3A_662, %eq3A_664 : vector<16xi32>
          %jit3A_666 = arith.constant 0.000000e+00 : f32
          %broadcast_in_dim3A_667 = vector.broadcast %jit3A_666 : f32 to vector<16xf32>
          %select_n3A_668 = arith.select %eq3A_665, %broadcast_in_dim3A_667, %get3A_655 : vector<16xi1>, vector<16xf32>
          %add3A_669 = arith.addf %scan3A_646, %select_n3A_668 : vector<16xf32>
          %mul3A_670 = arith.constant 8 : i32
          %mul3A_671 = arith.muli %scan3A_645, %mul3A_670 : i32
          %add3A_672 = arith.constant 1 : i32
          %add3A_673 = arith.addi %mul3A_671, %add3A_672 : i32
          %mul3A_674 = arith.constant 16 : i32
          %mul3A_675 = arith.muli %add3A_673, %mul3A_674 : i32
          %get3A_676 = arith.index_cast %mul3A_675 : i32 to index
          %get3A_677 = tpu.vector_load %arg5[%get3A_676] {strides = array<i32>} : memref<6272xf32, #tpu.memory_space<vmem>>, vector<16xf32>,
          %get3A_678 = vector.shape_cast %get3A_677 : vector<16xf32> to vector<16xf32>
          %mul3A_679 = arith.constant 6272 : i32
          %mul3A_680 = arith.muli %min3A, %mul3A_679 : i32
          %mul3A_681 = arith.constant 16 : i32
          %mul3A_682 = arith.muli %add3A_673, %mul3A_681 : i32
          %add3A_683 = arith.addi %mul3A_680, %mul3A_682 : i32
          %add3A_684 = vector.broadcast %add3A_683 : i32 to vector<16xi32>
          %add3A_685 = arith.addi %add3A_684, %iota3A : vector<16xi32>
          %eq3A_686 = arith.constant 0 : i32
          %eq3A_687 = vector.broadcast %eq3A_686 : i32 to vector<16xi32>
          %eq3A_688 = arith.cmpi eq, %add3A_685, %eq3A_687 : vector<16xi32>
          %jit3A_689 = arith.constant 0.000000e+00 : f32
          %broadcast_in_dim3A_690 = vector.broadcast %jit3A_689 : f32 to vector<16xf32>
          %select_n3A_691 = arith.select %eq3A_688, %broadcast_in_dim3A_690, %get3A_678 : vector<16xi1>, vector<16xf32>
          %add3A_692 = arith.addf %add3A_669, %select_n3A_691 : vector<16xf32>
          %mul3A_693 = arith.constant 8 : i32
          %mul3A_694 = arith.muli %scan3A_645, %mul3A_693 : i32
          %add3A_695 = arith.constant 2 : i32
          %add3A_696 = arith.addi %mul3A_694, %add3A_695 : i32
          %mul3A_697 = arith.constant 16 : i32
          %mul3A_698 = arith.muli %add3A_696, %mul3A_697 : i32
          %get3A_699 = arith.index_cast %mul3A_698 : i32 to index
          %get3A_700 = tpu.vector_load %arg5[%get3A_699] {strides = array<i32>} : memref<6272xf32, #tpu.memory_space<vmem>>, vector<16xf32>,
          %get3A_701 = vector.shape_cast %get3A_700 : vector<16xf32> to vector<16xf32>
          %mul3A_702 = arith.constant 6272 : i32
          %mul3A_703 = arith.muli %min3A, %mul3A_702 : i32
          %mul3A_704 = arith.constant 16 : i32
          %mul3A_705 = arith.muli %add3A_696, %mul3A_704 : i32
          %add3A_706 = arith.addi %mul3A_703, %mul3A_705 : i32
          %add3A_707 = vector.broadcast %add3A_706 : i32 to vector<16xi32>
          %add3A_708 = arith.addi %add3A_707, %iota3A : vector<16xi32>
          %eq3A_709 = arith.constant 0 : i32
          %eq3A_710 = vector.broadcast %eq3A_709 : i32 to vector<16xi32>
          %eq3A_711 = arith.cmpi eq, %add3A_708, %eq3A_710 : vector<16xi32>
          %jit3A_712 = arith.constant 0.000000e+00 : f32
          %broadcast_in_dim3A_713 = vector.broadcast %jit3A_712 : f32 to vector<16xf32>
          %select_n3A_714 = arith.select %eq3A_711, %broadcast_in_dim3A_713, %get3A_701 : vector<16xi1>, vector<16xf32>
          %add3A_715 = arith.addf %add3A_692, %select_n3A_714 : vector<16xf32>
          %mul3A_716 = arith.constant 8 : i32
          %mul3A_717 = arith.muli %scan3A_645, %mul3A_716 : i32
          %add3A_718 = arith.constant 3 : i32
          %add3A_719 = arith.addi %mul3A_717, %add3A_718 : i32
          %mul3A_720 = arith.constant 16 : i32
          %mul3A_721 = arith.muli %add3A_719, %mul3A_720 : i32
          %get3A_722 = arith.index_cast %mul3A_721 : i32 to index
          %get3A_723 = tpu.vector_load %arg5[%get3A_722] {strides = array<i32>} : memref<6272xf32, #tpu.memory_space<vmem>>, vector<16xf32>,
          %get3A_724 = vector.shape_cast %get3A_723 : vector<16xf32> to vector<16xf32>
          %mul3A_725 = arith.constant 6272 : i32
          %mul3A_726 = arith.muli %min3A, %mul3A_725 : i32
          %mul3A_727 = arith.constant 16 : i32
          %mul3A_728 = arith.muli %add3A_719, %mul3A_727 : i32
          %add3A_729 = arith.addi %mul3A_726, %mul3A_728 : i32
          %add3A_730 = vector.broadcast %add3A_729 : i32 to vector<16xi32>
          %add3A_731 = arith.addi %add3A_730, %iota3A : vector<16xi32>
          %eq3A_732 = arith.constant 0 : i32
          %eq3A_733 = vector.broadcast %eq3A_732 : i32 to vector<16xi32>
          %eq3A_734 = arith.cmpi eq, %add3A_731, %eq3A_733 : vector<16xi32>
          %jit3A_735 = arith.constant 0.000000e+00 : f32
          %broadcast_in_dim3A_736 = vector.broadcast %jit3A_735 : f32 to vector<16xf32>
          %select_n3A_737 = arith.select %eq3A_734, %broadcast_in_dim3A_736, %get3A_724 : vector<16xi1>, vector<16xf32>
          %add3A_738 = arith.addf %add3A_715, %select_n3A_737 : vector<16xf32>
          %mul3A_739 = arith.constant 8 : i32
          %mul3A_740 = arith.muli %scan3A_645, %mul3A_739 : i32
          %add3A_741 = arith.constant 4 : i32
          %add3A_742 = arith.addi %mul3A_740, %add3A_741 : i32
          %mul3A_743 = arith.constant 16 : i32
          %mul3A_744 = arith.muli %add3A_742, %mul3A_743 : i32
          %get3A_745 = arith.index_cast %mul3A_744 : i32 to index
          %get3A_746 = tpu.vector_load %arg5[%get3A_745] {strides = array<i32>} : memref<6272xf32, #tpu.memory_space<vmem>>, vector<16xf32>,
          %get3A_747 = vector.shape_cast %get3A_746 : vector<16xf32> to vector<16xf32>
          %mul3A_748 = arith.constant 6272 : i32
          %mul3A_749 = arith.muli %min3A, %mul3A_748 : i32
          %mul3A_750 = arith.constant 16 : i32
          %mul3A_751 = arith.muli %add3A_742, %mul3A_750 : i32
          %add3A_752 = arith.addi %mul3A_749, %mul3A_751 : i32
          %add3A_753 = vector.broadcast %add3A_752 : i32 to vector<16xi32>
          %add3A_754 = arith.addi %add3A_753, %iota3A : vector<16xi32>
          %eq3A_755 = arith.constant 0 : i32
          %eq3A_756 = vector.broadcast %eq3A_755 : i32 to vector<16xi32>
          %eq3A_757 = arith.cmpi eq, %add3A_754, %eq3A_756 : vector<16xi32>
          %jit3A_758 = arith.constant 0.000000e+00 : f32
          %broadcast_in_dim3A_759 = vector.broadcast %jit3A_758 : f32 to vector<16xf32>
          %select_n3A_760 = arith.select %eq3A_757, %broadcast_in_dim3A_759, %get3A_747 : vector<16xi1>, vector<16xf32>
          %add3A_761 = arith.addf %add3A_738, %select_n3A_760 : vector<16xf32>
          %mul3A_762 = arith.constant 8 : i32
          %mul3A_763 = arith.muli %scan3A_645, %mul3A_762 : i32
          %add3A_764 = arith.constant 5 : i32
          %add3A_765 = arith.addi %mul3A_763, %add3A_764 : i32
          %mul3A_766 = arith.constant 16 : i32
          %mul3A_767 = arith.muli %add3A_765, %mul3A_766 : i32
          %get3A_768 = arith.index_cast %mul3A_767 : i32 to index
          %get3A_769 = tpu.vector_load %arg5[%get3A_768] {strides = array<i32>} : memref<6272xf32, #tpu.memory_space<vmem>>, vector<16xf32>,
          %get3A_770 = vector.shape_cast %get3A_769 : vector<16xf32> to vector<16xf32>
          %mul3A_771 = arith.constant 6272 : i32
          %mul3A_772 = arith.muli %min3A, %mul3A_771 : i32
          %mul3A_773 = arith.constant 16 : i32
          %mul3A_774 = arith.muli %add3A_765, %mul3A_773 : i32
          %add3A_775 = arith.addi %mul3A_772, %mul3A_774 : i32
          %add3A_776 = vector.broadcast %add3A_775 : i32 to vector<16xi32>
          %add3A_777 = arith.addi %add3A_776, %iota3A : vector<16xi32>
          %eq3A_778 = arith.constant 0 : i32
          %eq3A_779 = vector.broadcast %eq3A_778 : i32 to vector<16xi32>
          %eq3A_780 = arith.cmpi eq, %add3A_777, %eq3A_779 : vector<16xi32>
          %jit3A_781 = arith.constant 0.000000e+00 : f32
          %broadcast_in_dim3A_782 = vector.broadcast %jit3A_781 : f32 to vector<16xf32>
          %select_n3A_783 = arith.select %eq3A_780, %broadcast_in_dim3A_782, %get3A_770 : vector<16xi1>, vector<16xf32>
          %add3A_784 = arith.addf %add3A_761, %select_n3A_783 : vector<16xf32>
          %mul3A_785 = arith.constant 8 : i32
          %mul3A_786 = arith.muli %scan3A_645, %mul3A_785 : i32
          %add3A_787 = arith.constant 6 : i32
          %add3A_788 = arith.addi %mul3A_786, %add3A_787 : i32
          %mul3A_789 = arith.constant 16 : i32
          %mul3A_790 = arith.muli %add3A_788, %mul3A_789 : i32
          %get3A_791 = arith.index_cast %mul3A_790 : i32 to index
          %get3A_792 = tpu.vector_load %arg5[%get3A_791] {strides = array<i32>} : memref<6272xf32, #tpu.memory_space<vmem>>, vector<16xf32>,
          %get3A_793 = vector.shape_cast %get3A_792 : vector<16xf32> to vector<16xf32>
          %mul3A_794 = arith.constant 6272 : i32
          %mul3A_795 = arith.muli %min3A, %mul3A_794 : i32
          %mul3A_796 = arith.constant 16 : i32
          %mul3A_797 = arith.muli %add3A_788, %mul3A_796 : i32
          %add3A_798 = arith.addi %mul3A_795, %mul3A_797 : i32
          %add3A_799 = vector.broadcast %add3A_798 : i32 to vector<16xi32>
          %add3A_800 = arith.addi %add3A_799, %iota3A : vector<16xi32>
          %eq3A_801 = arith.constant 0 : i32
          %eq3A_802 = vector.broadcast %eq3A_801 : i32 to vector<16xi32>
          %eq3A_803 = arith.cmpi eq, %add3A_800, %eq3A_802 : vector<16xi32>
          %jit3A_804 = arith.constant 0.000000e+00 : f32
          %broadcast_in_dim3A_805 = vector.broadcast %jit3A_804 : f32 to vector<16xf32>
          %select_n3A_806 = arith.select %eq3A_803, %broadcast_in_dim3A_805, %get3A_793 : vector<16xi1>, vector<16xf32>
          %add3A_807 = arith.addf %add3A_784, %select_n3A_806 : vector<16xf32>
          %mul3A_808 = arith.constant 8 : i32
          %mul3A_809 = arith.muli %scan3A_645, %mul3A_808 : i32
          %add3A_810 = arith.constant 7 : i32
          %add3A_811 = arith.addi %mul3A_809, %add3A_810 : i32
          %mul3A_812 = arith.constant 16 : i32
          %mul3A_813 = arith.muli %add3A_811, %mul3A_812 : i32
          %get3A_814 = arith.index_cast %mul3A_813 : i32 to index
          %get3A_815 = tpu.vector_load %arg5[%get3A_814] {strides = array<i32>} : memref<6272xf32, #tpu.memory_space<vmem>>, vector<16xf32>,
          %get3A_816 = vector.shape_cast %get3A_815 : vector<16xf32> to vector<16xf32>
          %mul3A_817 = arith.constant 6272 : i32
          %mul3A_818 = arith.muli %min3A, %mul3A_817 : i32
          %mul3A_819 = arith.constant 16 : i32
          %mul3A_820 = arith.muli %add3A_811, %mul3A_819 : i32
          %add3A_821 = arith.addi %mul3A_818, %mul3A_820 : i32
          %add3A_822 = vector.broadcast %add3A_821 : i32 to vector<16xi32>
          %add3A_823 = arith.addi %add3A_822, %iota3A : vector<16xi32>
          %eq3A_824 = arith.constant 0 : i32
          %eq3A_825 = vector.broadcast %eq3A_824 : i32 to vector<16xi32>
          %eq3A_826 = arith.cmpi eq, %add3A_823, %eq3A_825 : vector<16xi32>
          %jit3A_827 = arith.constant 0.000000e+00 : f32
          %broadcast_in_dim3A_828 = vector.broadcast %jit3A_827 : f32 to vector<16xf32>
          %select_n3A_829 = arith.select %eq3A_826, %broadcast_in_dim3A_828, %get3A_816 : vector<16xi1>, vector<16xf32>
          %add3A_830 = arith.addf %add3A_807, %select_n3A_829 : vector<16xf32>
          scf.yield %add3A_830 : vector<16xf32>
        }
        %scan3A_364 = arith.constant 49 : i32
        %slice3A_365 = vector.extract_strided_slice %scan3A_363 {offsets = [0], sizes = [1], strides = [1]} : vector<16xf32> to vector<1xf32>
        %squeeze3A_366 = vector.extract %slice3A_365[0] : f32 from vector<1xf32>
        %mul3A_367 = arith.constant 0.000000e+00 : f32
        %mul3A_368 = arith.mulf %squeeze3A_366, %mul3A_367 : f32
        %broadcast_in_dim3A_369 = arith.constant 0.000000e+00 : f32
        %broadcast_in_dim3A_370 = vector.broadcast %broadcast_in_dim3A_369 : f32 to vector<16xf32>
        %eq3A_371 = arith.constant 0 : i32
        %eq3A_372 = vector.broadcast %eq3A_371 : i32 to vector<16xi32>
        %eq3A_373 = arith.cmpi eq, %iota3A, %eq3A_372 : vector<16xi32>
        %broadcast_in_dim3A_374 = vector.broadcast %mul3A_368 : f32 to vector<16xf32>
        %select_n3A_375 = arith.select %eq3A_373, %broadcast_in_dim3A_374, %broadcast_in_dim3A_370 : vector<16xi1>, vector<16xf32>
        %slice3A_376 = vector.extract_strided_slice %scan3A_363 {offsets = [0], sizes = [1], strides = [1]} : vector<16xf32> to vector<1xf32>
        %squeeze3A_377 = vector.extract %slice3A_376[0] : f32 from vector<1xf32>
        %add3A_378 = arith.addf %mul3A_368, %squeeze3A_377 : f32
        %eq3A_379 = arith.constant 1 : i32
        %eq3A_380 = vector.broadcast %eq3A_379 : i32 to vector<16xi32>
        %eq3A_381 = arith.cmpi eq, %iota3A, %eq3A_380 : vector<16xi32>
        %broadcast_in_dim3A_382 = vector.broadcast %add3A_378 : f32 to vector<16xf32>
        %select_n3A_383 = arith.select %eq3A_381, %broadcast_in_dim3A_382, %select_n3A_375 : vector<16xi1>, vector<16xf32>
        %slice3A_384 = vector.extract_strided_slice %scan3A_363 {offsets = [1], sizes = [1], strides = [1]} : vector<16xf32> to vector<1xf32>
        %squeeze3A_385 = vector.extract %slice3A_384[0] : f32 from vector<1xf32>
        %add3A_386 = arith.addf %add3A_378, %squeeze3A_385 : f32
        %eq3A_387 = arith.constant 2 : i32
        %eq3A_388 = vector.broadcast %eq3A_387 : i32 to vector<16xi32>
        %eq3A_389 = arith.cmpi eq, %iota3A, %eq3A_388 : vector<16xi32>
        %broadcast_in_dim3A_390 = vector.broadcast %add3A_386 : f32 to vector<16xf32>
        %select_n3A_391 = arith.select %eq3A_389, %broadcast_in_dim3A_390, %select_n3A_383 : vector<16xi1>, vector<16xf32>
        %slice3A_392 = vector.extract_strided_slice %scan3A_363 {offsets = [2], sizes = [1], strides = [1]} : vector<16xf32> to vector<1xf32>
        %squeeze3A_393 = vector.extract %slice3A_392[0] : f32 from vector<1xf32>
        %add3A_394 = arith.addf %add3A_386, %squeeze3A_393 : f32
        %eq3A_395 = arith.constant 3 : i32
        %eq3A_396 = vector.broadcast %eq3A_395 : i32 to vector<16xi32>
        %eq3A_397 = arith.cmpi eq, %iota3A, %eq3A_396 : vector<16xi32>
        %broadcast_in_dim3A_398 = vector.broadcast %add3A_394 : f32 to vector<16xf32>
        %select_n3A_399 = arith.select %eq3A_397, %broadcast_in_dim3A_398, %select_n3A_391 : vector<16xi1>, vector<16xf32>
        %slice3A_400 = vector.extract_strided_slice %scan3A_363 {offsets = [3], sizes = [1], strides = [1]} : vector<16xf32> to vector<1xf32>
        %squeeze3A_401 = vector.extract %slice3A_400[0] : f32 from vector<1xf32>
        %add3A_402 = arith.addf %add3A_394, %squeeze3A_401 : f32
        %eq3A_403 = arith.constant 4 : i32
        %eq3A_404 = vector.broadcast %eq3A_403 : i32 to vector<16xi32>
        %eq3A_405 = arith.cmpi eq, %iota3A, %eq3A_404 : vector<16xi32>
        %broadcast_in_dim3A_406 = vector.broadcast %add3A_402 : f32 to vector<16xf32>
        %select_n3A_407 = arith.select %eq3A_405, %broadcast_in_dim3A_406, %select_n3A_399 : vector<16xi1>, vector<16xf32>
        %slice3A_408 = vector.extract_strided_slice %scan3A_363 {offsets = [4], sizes = [1], strides = [1]} : vector<16xf32> to vector<1xf32>
        %squeeze3A_409 = vector.extract %slice3A_408[0] : f32 from vector<1xf32>
        %add3A_410 = arith.addf %add3A_402, %squeeze3A_409 : f32
        %eq3A_411 = arith.constant 5 : i32
        %eq3A_412 = vector.broadcast %eq3A_411 : i32 to vector<16xi32>
        %eq3A_413 = arith.cmpi eq, %iota3A, %eq3A_412 : vector<16xi32>
        %broadcast_in_dim3A_414 = vector.broadcast %add3A_410 : f32 to vector<16xf32>
        %select_n3A_415 = arith.select %eq3A_413, %broadcast_in_dim3A_414, %select_n3A_407 : vector<16xi1>, vector<16xf32>
        %slice3A_416 = vector.extract_strided_slice %scan3A_363 {offsets = [5], sizes = [1], strides = [1]} : vector<16xf32> to vector<1xf32>
        %squeeze3A_417 = vector.extract %slice3A_416[0] : f32 from vector<1xf32>
        %add3A_418 = arith.addf %add3A_410, %squeeze3A_417 : f32
        %eq3A_419 = arith.constant 6 : i32
        %eq3A_420 = vector.broadcast %eq3A_419 : i32 to vector<16xi32>
        %eq3A_421 = arith.cmpi eq, %iota3A, %eq3A_420 : vector<16xi32>
        %broadcast_in_dim3A_422 = vector.broadcast %add3A_418 : f32 to vector<16xf32>
        %select_n3A_423 = arith.select %eq3A_421, %broadcast_in_dim3A_422, %select_n3A_415 : vector<16xi1>, vector<16xf32>
        %slice3A_424 = vector.extract_strided_slice %scan3A_363 {offsets = [6], sizes = [1], strides = [1]} : vector<16xf32> to vector<1xf32>
        %squeeze3A_425 = vector.extract %slice3A_424[0] : f32 from vector<1xf32>
        %add3A_426 = arith.addf %add3A_418, %squeeze3A_425 : f32
        %eq3A_427 = arith.constant 7 : i32
        %eq3A_428 = vector.broadcast %eq3A_427 : i32 to vector<16xi32>
        %eq3A_429 = arith.cmpi eq, %iota3A, %eq3A_428 : vector<16xi32>
        %broadcast_in_dim3A_430 = vector.broadcast %add3A_426 : f32 to vector<16xf32>
        %select_n3A_431 = arith.select %eq3A_429, %broadcast_in_dim3A_430, %select_n3A_423 : vector<16xi1>, vector<16xf32>
        %slice3A_432 = vector.extract_strided_slice %scan3A_363 {offsets = [7], sizes = [1], strides = [1]} : vector<16xf32> to vector<1xf32>
        %squeeze3A_433 = vector.extract %slice3A_432[0] : f32 from vector<1xf32>
        %add3A_434 = arith.addf %add3A_426, %squeeze3A_433 : f32
        %eq3A_435 = arith.constant 8 : i32
        %eq3A_436 = vector.broadcast %eq3A_435 : i32 to vector<16xi32>
        %eq3A_437 = arith.cmpi eq, %iota3A, %eq3A_436 : vector<16xi32>
        %broadcast_in_dim3A_438 = vector.broadcast %add3A_434 : f32 to vector<16xf32>
        %select_n3A_439 = arith.select %eq3A_437, %broadcast_in_dim3A_438, %select_n3A_431 : vector<16xi1>, vector<16xf32>
        %slice3A_440 = vector.extract_strided_slice %scan3A_363 {offsets = [8], sizes = [1], strides = [1]} : vector<16xf32> to vector<1xf32>
        %squeeze3A_441 = vector.extract %slice3A_440[0] : f32 from vector<1xf32>
        %add3A_442 = arith.addf %add3A_434, %squeeze3A_441 : f32
        %eq3A_443 = arith.constant 9 : i32
        %eq3A_444 = vector.broadcast %eq3A_443 : i32 to vector<16xi32>
        %eq3A_445 = arith.cmpi eq, %iota3A, %eq3A_444 : vector<16xi32>
        %broadcast_in_dim3A_446 = vector.broadcast %add3A_442 : f32 to vector<16xf32>
        %select_n3A_447 = arith.select %eq3A_445, %broadcast_in_dim3A_446, %select_n3A_439 : vector<16xi1>, vector<16xf32>
        %slice3A_448 = vector.extract_strided_slice %scan3A_363 {offsets = [9], sizes = [1], strides = [1]} : vector<16xf32> to vector<1xf32>
        %squeeze3A_449 = vector.extract %slice3A_448[0] : f32 from vector<1xf32>
        %add3A_450 = arith.addf %add3A_442, %squeeze3A_449 : f32
        %eq3A_451 = arith.constant 10 : i32
        %eq3A_452 = vector.broadcast %eq3A_451 : i32 to vector<16xi32>
        %eq3A_453 = arith.cmpi eq, %iota3A, %eq3A_452 : vector<16xi32>
        %broadcast_in_dim3A_454 = vector.broadcast %add3A_450 : f32 to vector<16xf32>
        %select_n3A_455 = arith.select %eq3A_453, %broadcast_in_dim3A_454, %select_n3A_447 : vector<16xi1>, vector<16xf32>
        %slice3A_456 = vector.extract_strided_slice %scan3A_363 {offsets = [10], sizes = [1], strides = [1]} : vector<16xf32> to vector<1xf32>
        %squeeze3A_457 = vector.extract %slice3A_456[0] : f32 from vector<1xf32>
        %add3A_458 = arith.addf %add3A_450, %squeeze3A_457 : f32
        %eq3A_459 = arith.constant 11 : i32
        %eq3A_460 = vector.broadcast %eq3A_459 : i32 to vector<16xi32>
        %eq3A_461 = arith.cmpi eq, %iota3A, %eq3A_460 : vector<16xi32>
        %broadcast_in_dim3A_462 = vector.broadcast %add3A_458 : f32 to vector<16xf32>
        %select_n3A_463 = arith.select %eq3A_461, %broadcast_in_dim3A_462, %select_n3A_455 : vector<16xi1>, vector<16xf32>
        %slice3A_464 = vector.extract_strided_slice %scan3A_363 {offsets = [11], sizes = [1], strides = [1]} : vector<16xf32> to vector<1xf32>
        %squeeze3A_465 = vector.extract %slice3A_464[0] : f32 from vector<1xf32>
        %add3A_466 = arith.addf %add3A_458, %squeeze3A_465 : f32
        %eq3A_467 = arith.constant 12 : i32
        %eq3A_468 = vector.broadcast %eq3A_467 : i32 to vector<16xi32>
        %eq3A_469 = arith.cmpi eq, %iota3A, %eq3A_468 : vector<16xi32>
        %broadcast_in_dim3A_470 = vector.broadcast %add3A_466 : f32 to vector<16xf32>
        %select_n3A_471 = arith.select %eq3A_469, %broadcast_in_dim3A_470, %select_n3A_463 : vector<16xi1>, vector<16xf32>
        %slice3A_472 = vector.extract_strided_slice %scan3A_363 {offsets = [12], sizes = [1], strides = [1]} : vector<16xf32> to vector<1xf32>
        %squeeze3A_473 = vector.extract %slice3A_472[0] : f32 from vector<1xf32>
        %add3A_474 = arith.addf %add3A_466, %squeeze3A_473 : f32
        %eq3A_475 = arith.constant 13 : i32
        %eq3A_476 = vector.broadcast %eq3A_475 : i32 to vector<16xi32>
        %eq3A_477 = arith.cmpi eq, %iota3A, %eq3A_476 : vector<16xi32>
        %broadcast_in_dim3A_478 = vector.broadcast %add3A_474 : f32 to vector<16xf32>
        %select_n3A_479 = arith.select %eq3A_477, %broadcast_in_dim3A_478, %select_n3A_471 : vector<16xi1>, vector<16xf32>
        %slice3A_480 = vector.extract_strided_slice %scan3A_363 {offsets = [13], sizes = [1], strides = [1]} : vector<16xf32> to vector<1xf32>
        %squeeze3A_481 = vector.extract %slice3A_480[0] : f32 from vector<1xf32>
        %add3A_482 = arith.addf %add3A_474, %squeeze3A_481 : f32
        %eq3A_483 = arith.constant 14 : i32
        %eq3A_484 = vector.broadcast %eq3A_483 : i32 to vector<16xi32>
        %eq3A_485 = arith.cmpi eq, %iota3A, %eq3A_484 : vector<16xi32>
        %broadcast_in_dim3A_486 = vector.broadcast %add3A_482 : f32 to vector<16xf32>
        %select_n3A_487 = arith.select %eq3A_485, %broadcast_in_dim3A_486, %select_n3A_479 : vector<16xi1>, vector<16xf32>
        %slice3A_488 = vector.extract_strided_slice %scan3A_363 {offsets = [14], sizes = [1], strides = [1]} : vector<16xf32> to vector<1xf32>
        %squeeze3A_489 = vector.extract %slice3A_488[0] : f32 from vector<1xf32>
        %add3A_490 = arith.addf %add3A_482, %squeeze3A_489 : f32
        %eq3A_491 = arith.constant 15 : i32
        %eq3A_492 = vector.broadcast %eq3A_491 : i32 to vector<16xi32>
        %eq3A_493 = arith.cmpi eq, %iota3A, %eq3A_492 : vector<16xi32>
        %broadcast_in_dim3A_494 = vector.broadcast %add3A_490 : f32 to vector<16xf32>
        %select_n3A_495 = arith.select %eq3A_493, %broadcast_in_dim3A_494, %select_n3A_487 : vector<16xi1>, vector<16xf32>
        %slice3A_496 = vector.extract_strided_slice %scan3A_363 {offsets = [15], sizes = [1], strides = [1]} : vector<16xf32> to vector<1xf32>
        %squeeze3A_497 = vector.extract %slice3A_496[0] : f32 from vector<1xf32>
        %add3A_498 = arith.addf %add3A_490, %squeeze3A_497 : f32
        %lt3A_499 = vector.broadcast %sub3A_357 : f32 to vector<16xf32>
        %lt3A_500 = arith.cmpf olt, %select_n3A_495, %lt3A_499 : vector<16xf32>
        %jit3A_501 = arith.constant 1 : i32
        %jit3A_502 = arith.constant 0 : i32
        %broadcast_in_dim3A_503 = vector.broadcast %jit3A_501 : i32 to vector<16xi32>
        %broadcast_in_dim3A_504 = vector.broadcast %jit3A_502 : i32 to vector<16xi32>
        %select_n3A_505 = arith.select %lt3A_500, %broadcast_in_dim3A_503, %broadcast_in_dim3A_504 : vector<16xi1>, vector<16xi32>
        %slice3A_506 = vector.extract_strided_slice %select_n3A_505 {offsets = [0], sizes = [1], strides = [1]} : vector<16xi32> to vector<1xi32>
        %squeeze3A_507 = vector.extract %slice3A_506[0] : i32 from vector<1xi32>
        %slice3A_508 = vector.extract_strided_slice %select_n3A_505 {offsets = [1], sizes = [1], strides = [1]} : vector<16xi32> to vector<1xi32>
        %squeeze3A_509 = vector.extract %slice3A_508[0] : i32 from vector<1xi32>
        %add3A_510 = arith.addi %squeeze3A_507, %squeeze3A_509 : i32
        %slice3A_511 = vector.extract_strided_slice %select_n3A_505 {offsets = [2], sizes = [1], strides = [1]} : vector<16xi32> to vector<1xi32>
        %squeeze3A_512 = vector.extract %slice3A_511[0] : i32 from vector<1xi32>
        %add3A_513 = arith.addi %add3A_510, %squeeze3A_512 : i32
        %slice3A_514 = vector.extract_strided_slice %select_n3A_505 {offsets = [3], sizes = [1], strides = [1]} : vector<16xi32> to vector<1xi32>
        %squeeze3A_515 = vector.extract %slice3A_514[0] : i32 from vector<1xi32>
        %add3A_516 = arith.addi %add3A_513, %squeeze3A_515 : i32
        %slice3A_517 = vector.extract_strided_slice %select_n3A_505 {offsets = [4], sizes = [1], strides = [1]} : vector<16xi32> to vector<1xi32>
        %squeeze3A_518 = vector.extract %slice3A_517[0] : i32 from vector<1xi32>
        %add3A_519 = arith.addi %add3A_516, %squeeze3A_518 : i32
        %slice3A_520 = vector.extract_strided_slice %select_n3A_505 {offsets = [5], sizes = [1], strides = [1]} : vector<16xi32> to vector<1xi32>
        %squeeze3A_521 = vector.extract %slice3A_520[0] : i32 from vector<1xi32>
        %add3A_522 = arith.addi %add3A_519, %squeeze3A_521 : i32
        %slice3A_523 = vector.extract_strided_slice %select_n3A_505 {offsets = [6], sizes = [1], strides = [1]} : vector<16xi32> to vector<1xi32>
        %squeeze3A_524 = vector.extract %slice3A_523[0] : i32 from vector<1xi32>
        %add3A_525 = arith.addi %add3A_522, %squeeze3A_524 : i32
        %slice3A_526 = vector.extract_strided_slice %select_n3A_505 {offsets = [7], sizes = [1], strides = [1]} : vector<16xi32> to vector<1xi32>
        %squeeze3A_527 = vector.extract %slice3A_526[0] : i32 from vector<1xi32>
        %add3A_528 = arith.addi %add3A_525, %squeeze3A_527 : i32
        %slice3A_529 = vector.extract_strided_slice %select_n3A_505 {offsets = [8], sizes = [1], strides = [1]} : vector<16xi32> to vector<1xi32>
        %squeeze3A_530 = vector.extract %slice3A_529[0] : i32 from vector<1xi32>
        %add3A_531 = arith.addi %add3A_528, %squeeze3A_530 : i32
        %slice3A_532 = vector.extract_strided_slice %select_n3A_505 {offsets = [9], sizes = [1], strides = [1]} : vector<16xi32> to vector<1xi32>
        %squeeze3A_533 = vector.extract %slice3A_532[0] : i32 from vector<1xi32>
        %add3A_534 = arith.addi %add3A_531, %squeeze3A_533 : i32
        %slice3A_535 = vector.extract_strided_slice %select_n3A_505 {offsets = [10], sizes = [1], strides = [1]} : vector<16xi32> to vector<1xi32>
        %squeeze3A_536 = vector.extract %slice3A_535[0] : i32 from vector<1xi32>
        %add3A_537 = arith.addi %add3A_534, %squeeze3A_536 : i32
        %slice3A_538 = vector.extract_strided_slice %select_n3A_505 {offsets = [11], sizes = [1], strides = [1]} : vector<16xi32> to vector<1xi32>
        %squeeze3A_539 = vector.extract %slice3A_538[0] : i32 from vector<1xi32>
        %add3A_540 = arith.addi %add3A_537, %squeeze3A_539 : i32
        %slice3A_541 = vector.extract_strided_slice %select_n3A_505 {offsets = [12], sizes = [1], strides = [1]} : vector<16xi32> to vector<1xi32>
        %squeeze3A_542 = vector.extract %slice3A_541[0] : i32 from vector<1xi32>
        %add3A_543 = arith.addi %add3A_540, %squeeze3A_542 : i32
        %slice3A_544 = vector.extract_strided_slice %select_n3A_505 {offsets = [13], sizes = [1], strides = [1]} : vector<16xi32> to vector<1xi32>
        %squeeze3A_545 = vector.extract %slice3A_544[0] : i32 from vector<1xi32>
        %add3A_546 = arith.addi %add3A_543, %squeeze3A_545 : i32
        %slice3A_547 = vector.extract_strided_slice %select_n3A_505 {offsets = [14], sizes = [1], strides = [1]} : vector<16xi32> to vector<1xi32>
        %squeeze3A_548 = vector.extract %slice3A_547[0] : i32 from vector<1xi32>
        %add3A_549 = arith.addi %add3A_546, %squeeze3A_548 : i32
        %slice3A_550 = vector.extract_strided_slice %select_n3A_505 {offsets = [15], sizes = [1], strides = [1]} : vector<16xi32> to vector<1xi32>
        %squeeze3A_551 = vector.extract %slice3A_550[0] : i32 from vector<1xi32>
        %add3A_552 = arith.addi %add3A_549, %squeeze3A_551 : i32
        %sub3A_553 = arith.constant 1 : i32
        %sub3A_554 = arith.subi %add3A_552, %sub3A_553 : i32
        %jit3A_555 = arith.constant 0 : i32
        %jit3A_556 = arith.constant 15 : i32
        %max3A_557 = arith.maxsi %jit3A_555, %sub3A_554 : i32
        %min3A_558 = arith.minsi %jit3A_556, %max3A_557 : i32
        %sub3A_559 = vector.broadcast %sub3A_357 : f32 to vector<16xf32>
        %sub3A_560 = arith.subf %sub3A_559, %select_n3A_495 : vector<16xf32>
        %broadcast_in_dim3A_561 = arith.constant -1 : i32
        %broadcast_in_dim3A_562 = vector.broadcast %broadcast_in_dim3A_561 : i32 to vector<16xi32>
        %scan3A_563 = arith.constant 0 : i32
        %scan3A_564 = arith.constant 49 : i32
        %scan3A_565 = arith.addi %scan3A_563, %scan3A_564 : i32
        %scan3A_566 = arith.constant 1 : i32
        %scan3A_567:2 = scf.for %scan3A_645 = %scan3A_563 to %scan3A_565 step %scan3A_566 iter_args(%scan3A_646 = %broadcast_in_dim3A_0, %scan3A_647 = %broadcast_in_dim3A_562) -> (vector<16xf32>, vector<16xi32>)  : i32 {
          %mul3A_648 = arith.constant 8 : i32
          %mul3A_649 = arith.muli %scan3A_645, %mul3A_648 : i32
          %add3A_650 = arith.constant 0 : i32
          %add3A_651 = arith.addi %mul3A_649, %add3A_650 : i32
          %mul3A_652 = arith.constant 16 : i32
          %mul3A_653 = arith.muli %add3A_651, %mul3A_652 : i32
          %get3A_654 = arith.index_cast %mul3A_653 : i32 to index
          %get3A_655 = tpu.vector_load %arg5[%get3A_654] {strides = array<i32>} : memref<6272xf32, #tpu.memory_space<vmem>>, vector<16xf32>,
          %get3A_656 = vector.shape_cast %get3A_655 : vector<16xf32> to vector<16xf32>
          %mul3A_657 = arith.constant 6272 : i32
          %mul3A_658 = arith.muli %min3A, %mul3A_657 : i32
          %mul3A_659 = arith.constant 16 : i32
          %mul3A_660 = arith.muli %add3A_651, %mul3A_659 : i32
          %add3A_661 = arith.addi %mul3A_658, %mul3A_660 : i32
          %add3A_662 = vector.broadcast %add3A_661 : i32 to vector<16xi32>
          %add3A_663 = arith.addi %add3A_662, %iota3A : vector<16xi32>
          %eq3A_664 = arith.constant 0 : i32
          %eq3A_665 = vector.broadcast %eq3A_664 : i32 to vector<16xi32>
          %eq3A_666 = arith.cmpi eq, %add3A_663, %eq3A_665 : vector<16xi32>
          %jit3A_667 = arith.constant 0.000000e+00 : f32
          %broadcast_in_dim3A_668 = vector.broadcast %jit3A_667 : f32 to vector<16xf32>
          %select_n3A_669 = arith.select %eq3A_666, %broadcast_in_dim3A_668, %get3A_656 : vector<16xi1>, vector<16xf32>
          %add3A_670 = arith.addf %scan3A_646, %select_n3A_669 : vector<16xf32>
          %ge3A_671 = arith.cmpf oge, %add3A_670, %sub3A_560 : vector<16xf32>
          %lt3A_672 = arith.constant 0 : i32
          %lt3A_673 = vector.broadcast %lt3A_672 : i32 to vector<16xi32>
          %lt3A_674 = arith.cmpi slt, %scan3A_647, %lt3A_673 : vector<16xi32>
          %and3A = arith.andi %ge3A_671, %lt3A_674 : vector<16xi1>
          %broadcast_in_dim3A_675 = vector.broadcast %add3A_651 : i32 to vector<16xi32>
          %select_n3A_676 = arith.select %and3A, %broadcast_in_dim3A_675, %scan3A_647 : vector<16xi1>, vector<16xi32>
          %mul3A_677 = arith.constant 8 : i32
          %mul3A_678 = arith.muli %scan3A_645, %mul3A_677 : i32
          %add3A_679 = arith.constant 1 : i32
          %add3A_680 = arith.addi %mul3A_678, %add3A_679 : i32
          %mul3A_681 = arith.constant 16 : i32
          %mul3A_682 = arith.muli %add3A_680, %mul3A_681 : i32
          %get3A_683 = arith.index_cast %mul3A_682 : i32 to index
          %get3A_684 = tpu.vector_load %arg5[%get3A_683] {strides = array<i32>} : memref<6272xf32, #tpu.memory_space<vmem>>, vector<16xf32>,
          %get3A_685 = vector.shape_cast %get3A_684 : vector<16xf32> to vector<16xf32>
          %mul3A_686 = arith.constant 6272 : i32
          %mul3A_687 = arith.muli %min3A, %mul3A_686 : i32
          %mul3A_688 = arith.constant 16 : i32
          %mul3A_689 = arith.muli %add3A_680, %mul3A_688 : i32
          %add3A_690 = arith.addi %mul3A_687, %mul3A_689 : i32
          %add3A_691 = vector.broadcast %add3A_690 : i32 to vector<16xi32>
          %add3A_692 = arith.addi %add3A_691, %iota3A : vector<16xi32>
          %eq3A_693 = arith.constant 0 : i32
          %eq3A_694 = vector.broadcast %eq3A_693 : i32 to vector<16xi32>
          %eq3A_695 = arith.cmpi eq, %add3A_692, %eq3A_694 : vector<16xi32>
          %jit3A_696 = arith.constant 0.000000e+00 : f32
          %broadcast_in_dim3A_697 = vector.broadcast %jit3A_696 : f32 to vector<16xf32>
          %select_n3A_698 = arith.select %eq3A_695, %broadcast_in_dim3A_697, %get3A_685 : vector<16xi1>, vector<16xf32>
          %add3A_699 = arith.addf %add3A_670, %select_n3A_698 : vector<16xf32>
          %ge3A_700 = arith.cmpf oge, %add3A_699, %sub3A_560 : vector<16xf32>
          %lt3A_701 = arith.constant 0 : i32
          %lt3A_702 = vector.broadcast %lt3A_701 : i32 to vector<16xi32>
          %lt3A_703 = arith.cmpi slt, %select_n3A_676, %lt3A_702 : vector<16xi32>
          %and3A_704 = arith.andi %ge3A_700, %lt3A_703 : vector<16xi1>
          %broadcast_in_dim3A_705 = vector.broadcast %add3A_680 : i32 to vector<16xi32>
          %select_n3A_706 = arith.select %and3A_704, %broadcast_in_dim3A_705, %select_n3A_676 : vector<16xi1>, vector<16xi32>
          %mul3A_707 = arith.constant 8 : i32
          %mul3A_708 = arith.muli %scan3A_645, %mul3A_707 : i32
          %add3A_709 = arith.constant 2 : i32
          %add3A_710 = arith.addi %mul3A_708, %add3A_709 : i32
          %mul3A_711 = arith.constant 16 : i32
          %mul3A_712 = arith.muli %add3A_710, %mul3A_711 : i32
          %get3A_713 = arith.index_cast %mul3A_712 : i32 to index
          %get3A_714 = tpu.vector_load %arg5[%get3A_713] {strides = array<i32>} : memref<6272xf32, #tpu.memory_space<vmem>>, vector<16xf32>,
          %get3A_715 = vector.shape_cast %get3A_714 : vector<16xf32> to vector<16xf32>
          %mul3A_716 = arith.constant 6272 : i32
          %mul3A_717 = arith.muli %min3A, %mul3A_716 : i32
          %mul3A_718 = arith.constant 16 : i32
          %mul3A_719 = arith.muli %add3A_710, %mul3A_718 : i32
          %add3A_720 = arith.addi %mul3A_717, %mul3A_719 : i32
          %add3A_721 = vector.broadcast %add3A_720 : i32 to vector<16xi32>
          %add3A_722 = arith.addi %add3A_721, %iota3A : vector<16xi32>
          %eq3A_723 = arith.constant 0 : i32
          %eq3A_724 = vector.broadcast %eq3A_723 : i32 to vector<16xi32>
          %eq3A_725 = arith.cmpi eq, %add3A_722, %eq3A_724 : vector<16xi32>
          %jit3A_726 = arith.constant 0.000000e+00 : f32
          %broadcast_in_dim3A_727 = vector.broadcast %jit3A_726 : f32 to vector<16xf32>
          %select_n3A_728 = arith.select %eq3A_725, %broadcast_in_dim3A_727, %get3A_715 : vector<16xi1>, vector<16xf32>
          %add3A_729 = arith.addf %add3A_699, %select_n3A_728 : vector<16xf32>
          %ge3A_730 = arith.cmpf oge, %add3A_729, %sub3A_560 : vector<16xf32>
          %lt3A_731 = arith.constant 0 : i32
          %lt3A_732 = vector.broadcast %lt3A_731 : i32 to vector<16xi32>
          %lt3A_733 = arith.cmpi slt, %select_n3A_706, %lt3A_732 : vector<16xi32>
          %and3A_734 = arith.andi %ge3A_730, %lt3A_733 : vector<16xi1>
          %broadcast_in_dim3A_735 = vector.broadcast %add3A_710 : i32 to vector<16xi32>
          %select_n3A_736 = arith.select %and3A_734, %broadcast_in_dim3A_735, %select_n3A_706 : vector<16xi1>, vector<16xi32>
          %mul3A_737 = arith.constant 8 : i32
          %mul3A_738 = arith.muli %scan3A_645, %mul3A_737 : i32
          %add3A_739 = arith.constant 3 : i32
          %add3A_740 = arith.addi %mul3A_738, %add3A_739 : i32
          %mul3A_741 = arith.constant 16 : i32
          %mul3A_742 = arith.muli %add3A_740, %mul3A_741 : i32
          %get3A_743 = arith.index_cast %mul3A_742 : i32 to index
          %get3A_744 = tpu.vector_load %arg5[%get3A_743] {strides = array<i32>} : memref<6272xf32, #tpu.memory_space<vmem>>, vector<16xf32>,
          %get3A_745 = vector.shape_cast %get3A_744 : vector<16xf32> to vector<16xf32>
          %mul3A_746 = arith.constant 6272 : i32
          %mul3A_747 = arith.muli %min3A, %mul3A_746 : i32
          %mul3A_748 = arith.constant 16 : i32
          %mul3A_749 = arith.muli %add3A_740, %mul3A_748 : i32
          %add3A_750 = arith.addi %mul3A_747, %mul3A_749 : i32
          %add3A_751 = vector.broadcast %add3A_750 : i32 to vector<16xi32>
          %add3A_752 = arith.addi %add3A_751, %iota3A : vector<16xi32>
          %eq3A_753 = arith.constant 0 : i32
          %eq3A_754 = vector.broadcast %eq3A_753 : i32 to vector<16xi32>
          %eq3A_755 = arith.cmpi eq, %add3A_752, %eq3A_754 : vector<16xi32>
          %jit3A_756 = arith.constant 0.000000e+00 : f32
          %broadcast_in_dim3A_757 = vector.broadcast %jit3A_756 : f32 to vector<16xf32>
          %select_n3A_758 = arith.select %eq3A_755, %broadcast_in_dim3A_757, %get3A_745 : vector<16xi1>, vector<16xf32>
          %add3A_759 = arith.addf %add3A_729, %select_n3A_758 : vector<16xf32>
          %ge3A_760 = arith.cmpf oge, %add3A_759, %sub3A_560 : vector<16xf32>
          %lt3A_761 = arith.constant 0 : i32
          %lt3A_762 = vector.broadcast %lt3A_761 : i32 to vector<16xi32>
          %lt3A_763 = arith.cmpi slt, %select_n3A_736, %lt3A_762 : vector<16xi32>
          %and3A_764 = arith.andi %ge3A_760, %lt3A_763 : vector<16xi1>
          %broadcast_in_dim3A_765 = vector.broadcast %add3A_740 : i32 to vector<16xi32>
          %select_n3A_766 = arith.select %and3A_764, %broadcast_in_dim3A_765, %select_n3A_736 : vector<16xi1>, vector<16xi32>
          %mul3A_767 = arith.constant 8 : i32
          %mul3A_768 = arith.muli %scan3A_645, %mul3A_767 : i32
          %add3A_769 = arith.constant 4 : i32
          %add3A_770 = arith.addi %mul3A_768, %add3A_769 : i32
          %mul3A_771 = arith.constant 16 : i32
          %mul3A_772 = arith.muli %add3A_770, %mul3A_771 : i32
          %get3A_773 = arith.index_cast %mul3A_772 : i32 to index
          %get3A_774 = tpu.vector_load %arg5[%get3A_773] {strides = array<i32>} : memref<6272xf32, #tpu.memory_space<vmem>>, vector<16xf32>,
          %get3A_775 = vector.shape_cast %get3A_774 : vector<16xf32> to vector<16xf32>
          %mul3A_776 = arith.constant 6272 : i32
          %mul3A_777 = arith.muli %min3A, %mul3A_776 : i32
          %mul3A_778 = arith.constant 16 : i32
          %mul3A_779 = arith.muli %add3A_770, %mul3A_778 : i32
          %add3A_780 = arith.addi %mul3A_777, %mul3A_779 : i32
          %add3A_781 = vector.broadcast %add3A_780 : i32 to vector<16xi32>
          %add3A_782 = arith.addi %add3A_781, %iota3A : vector<16xi32>
          %eq3A_783 = arith.constant 0 : i32
          %eq3A_784 = vector.broadcast %eq3A_783 : i32 to vector<16xi32>
          %eq3A_785 = arith.cmpi eq, %add3A_782, %eq3A_784 : vector<16xi32>
          %jit3A_786 = arith.constant 0.000000e+00 : f32
          %broadcast_in_dim3A_787 = vector.broadcast %jit3A_786 : f32 to vector<16xf32>
          %select_n3A_788 = arith.select %eq3A_785, %broadcast_in_dim3A_787, %get3A_775 : vector<16xi1>, vector<16xf32>
          %add3A_789 = arith.addf %add3A_759, %select_n3A_788 : vector<16xf32>
          %ge3A_790 = arith.cmpf oge, %add3A_789, %sub3A_560 : vector<16xf32>
          %lt3A_791 = arith.constant 0 : i32
          %lt3A_792 = vector.broadcast %lt3A_791 : i32 to vector<16xi32>
          %lt3A_793 = arith.cmpi slt, %select_n3A_766, %lt3A_792 : vector<16xi32>
          %and3A_794 = arith.andi %ge3A_790, %lt3A_793 : vector<16xi1>
          %broadcast_in_dim3A_795 = vector.broadcast %add3A_770 : i32 to vector<16xi32>
          %select_n3A_796 = arith.select %and3A_794, %broadcast_in_dim3A_795, %select_n3A_766 : vector<16xi1>, vector<16xi32>
          %mul3A_797 = arith.constant 8 : i32
          %mul3A_798 = arith.muli %scan3A_645, %mul3A_797 : i32
          %add3A_799 = arith.constant 5 : i32
          %add3A_800 = arith.addi %mul3A_798, %add3A_799 : i32
          %mul3A_801 = arith.constant 16 : i32
          %mul3A_802 = arith.muli %add3A_800, %mul3A_801 : i32
          %get3A_803 = arith.index_cast %mul3A_802 : i32 to index
          %get3A_804 = tpu.vector_load %arg5[%get3A_803] {strides = array<i32>} : memref<6272xf32, #tpu.memory_space<vmem>>, vector<16xf32>,
          %get3A_805 = vector.shape_cast %get3A_804 : vector<16xf32> to vector<16xf32>
          %mul3A_806 = arith.constant 6272 : i32
          %mul3A_807 = arith.muli %min3A, %mul3A_806 : i32
          %mul3A_808 = arith.constant 16 : i32
          %mul3A_809 = arith.muli %add3A_800, %mul3A_808 : i32
          %add3A_810 = arith.addi %mul3A_807, %mul3A_809 : i32
          %add3A_811 = vector.broadcast %add3A_810 : i32 to vector<16xi32>
          %add3A_812 = arith.addi %add3A_811, %iota3A : vector<16xi32>
          %eq3A_813 = arith.constant 0 : i32
          %eq3A_814 = vector.broadcast %eq3A_813 : i32 to vector<16xi32>
          %eq3A_815 = arith.cmpi eq, %add3A_812, %eq3A_814 : vector<16xi32>
          %jit3A_816 = arith.constant 0.000000e+00 : f32
          %broadcast_in_dim3A_817 = vector.broadcast %jit3A_816 : f32 to vector<16xf32>
          %select_n3A_818 = arith.select %eq3A_815, %broadcast_in_dim3A_817, %get3A_805 : vector<16xi1>, vector<16xf32>
          %add3A_819 = arith.addf %add3A_789, %select_n3A_818 : vector<16xf32>
          %ge3A_820 = arith.cmpf oge, %add3A_819, %sub3A_560 : vector<16xf32>
          %lt3A_821 = arith.constant 0 : i32
          %lt3A_822 = vector.broadcast %lt3A_821 : i32 to vector<16xi32>
          %lt3A_823 = arith.cmpi slt, %select_n3A_796, %lt3A_822 : vector<16xi32>
          %and3A_824 = arith.andi %ge3A_820, %lt3A_823 : vector<16xi1>
          %broadcast_in_dim3A_825 = vector.broadcast %add3A_800 : i32 to vector<16xi32>
          %select_n3A_826 = arith.select %and3A_824, %broadcast_in_dim3A_825, %select_n3A_796 : vector<16xi1>, vector<16xi32>
          %mul3A_827 = arith.constant 8 : i32
          %mul3A_828 = arith.muli %scan3A_645, %mul3A_827 : i32
          %add3A_829 = arith.constant 6 : i32
          %add3A_830 = arith.addi %mul3A_828, %add3A_829 : i32
          %mul3A_831 = arith.constant 16 : i32
          %mul3A_832 = arith.muli %add3A_830, %mul3A_831 : i32
          %get3A_833 = arith.index_cast %mul3A_832 : i32 to index
          %get3A_834 = tpu.vector_load %arg5[%get3A_833] {strides = array<i32>} : memref<6272xf32, #tpu.memory_space<vmem>>, vector<16xf32>,
          %get3A_835 = vector.shape_cast %get3A_834 : vector<16xf32> to vector<16xf32>
          %mul3A_836 = arith.constant 6272 : i32
          %mul3A_837 = arith.muli %min3A, %mul3A_836 : i32
          %mul3A_838 = arith.constant 16 : i32
          %mul3A_839 = arith.muli %add3A_830, %mul3A_838 : i32
          %add3A_840 = arith.addi %mul3A_837, %mul3A_839 : i32
          %add3A_841 = vector.broadcast %add3A_840 : i32 to vector<16xi32>
          %add3A_842 = arith.addi %add3A_841, %iota3A : vector<16xi32>
          %eq3A_843 = arith.constant 0 : i32
          %eq3A_844 = vector.broadcast %eq3A_843 : i32 to vector<16xi32>
          %eq3A_845 = arith.cmpi eq, %add3A_842, %eq3A_844 : vector<16xi32>
          %jit3A_846 = arith.constant 0.000000e+00 : f32
          %broadcast_in_dim3A_847 = vector.broadcast %jit3A_846 : f32 to vector<16xf32>
          %select_n3A_848 = arith.select %eq3A_845, %broadcast_in_dim3A_847, %get3A_835 : vector<16xi1>, vector<16xf32>
          %add3A_849 = arith.addf %add3A_819, %select_n3A_848 : vector<16xf32>
          %ge3A_850 = arith.cmpf oge, %add3A_849, %sub3A_560 : vector<16xf32>
          %lt3A_851 = arith.constant 0 : i32
          %lt3A_852 = vector.broadcast %lt3A_851 : i32 to vector<16xi32>
          %lt3A_853 = arith.cmpi slt, %select_n3A_826, %lt3A_852 : vector<16xi32>
          %and3A_854 = arith.andi %ge3A_850, %lt3A_853 : vector<16xi1>
          %broadcast_in_dim3A_855 = vector.broadcast %add3A_830 : i32 to vector<16xi32>
          %select_n3A_856 = arith.select %and3A_854, %broadcast_in_dim3A_855, %select_n3A_826 : vector<16xi1>, vector<16xi32>
          %mul3A_857 = arith.constant 8 : i32
          %mul3A_858 = arith.muli %scan3A_645, %mul3A_857 : i32
          %add3A_859 = arith.constant 7 : i32
          %add3A_860 = arith.addi %mul3A_858, %add3A_859 : i32
          %mul3A_861 = arith.constant 16 : i32
          %mul3A_862 = arith.muli %add3A_860, %mul3A_861 : i32
          %get3A_863 = arith.index_cast %mul3A_862 : i32 to index
          %get3A_864 = tpu.vector_load %arg5[%get3A_863] {strides = array<i32>} : memref<6272xf32, #tpu.memory_space<vmem>>, vector<16xf32>,
          %get3A_865 = vector.shape_cast %get3A_864 : vector<16xf32> to vector<16xf32>
          %mul3A_866 = arith.constant 6272 : i32
          %mul3A_867 = arith.muli %min3A, %mul3A_866 : i32
          %mul3A_868 = arith.constant 16 : i32
          %mul3A_869 = arith.muli %add3A_860, %mul3A_868 : i32
          %add3A_870 = arith.addi %mul3A_867, %mul3A_869 : i32
          %add3A_871 = vector.broadcast %add3A_870 : i32 to vector<16xi32>
          %add3A_872 = arith.addi %add3A_871, %iota3A : vector<16xi32>
          %eq3A_873 = arith.constant 0 : i32
          %eq3A_874 = vector.broadcast %eq3A_873 : i32 to vector<16xi32>
          %eq3A_875 = arith.cmpi eq, %add3A_872, %eq3A_874 : vector<16xi32>
          %jit3A_876 = arith.constant 0.000000e+00 : f32
          %broadcast_in_dim3A_877 = vector.broadcast %jit3A_876 : f32 to vector<16xf32>
          %select_n3A_878 = arith.select %eq3A_875, %broadcast_in_dim3A_877, %get3A_865 : vector<16xi1>, vector<16xf32>
          %add3A_879 = arith.addf %add3A_849, %select_n3A_878 : vector<16xf32>
          %ge3A_880 = arith.cmpf oge, %add3A_879, %sub3A_560 : vector<16xf32>
          %lt3A_881 = arith.constant 0 : i32
          %lt3A_882 = vector.broadcast %lt3A_881 : i32 to vector<16xi32>
          %lt3A_883 = arith.cmpi slt, %select_n3A_856, %lt3A_882 : vector<16xi32>
          %and3A_884 = arith.andi %ge3A_880, %lt3A_883 : vector<16xi1>
          %broadcast_in_dim3A_885 = vector.broadcast %add3A_860 : i32 to vector<16xi32>
          %select_n3A_886 = arith.select %and3A_884, %broadcast_in_dim3A_885, %select_n3A_856 : vector<16xi1>, vector<16xi32>
          scf.yield %add3A_879, %select_n3A_886 : vector<16xf32>, vector<16xi32>
        }
        %scan3A_568 = arith.constant 49 : i32
        %broadcast_in_dim3A_569 = arith.constant 0 : i32
        %broadcast_in_dim3A_570 = vector.broadcast %broadcast_in_dim3A_569 : i32 to vector<16xi32>
        %eq3A_571 = vector.broadcast %min3A_558 : i32 to vector<16xi32>
        %eq3A_572 = arith.cmpi eq, %iota3A, %eq3A_571 : vector<16xi32>
        %select_n3A_573 = arith.select %eq3A_572, %scan3A_567#1, %broadcast_in_dim3A_570 : vector<16xi1>, vector<16xi32>
        %slice3A_574 = vector.extract_strided_slice %select_n3A_573 {offsets = [0], sizes = [1], strides = [1]} : vector<16xi32> to vector<1xi32>
        %squeeze3A_575 = vector.extract %slice3A_574[0] : i32 from vector<1xi32>
        %slice3A_576 = vector.extract_strided_slice %select_n3A_573 {offsets = [1], sizes = [1], strides = [1]} : vector<16xi32> to vector<1xi32>
        %squeeze3A_577 = vector.extract %slice3A_576[0] : i32 from vector<1xi32>
        %add3A_578 = arith.addi %squeeze3A_575, %squeeze3A_577 : i32
        %slice3A_579 = vector.extract_strided_slice %select_n3A_573 {offsets = [2], sizes = [1], strides = [1]} : vector<16xi32> to vector<1xi32>
        %squeeze3A_580 = vector.extract %slice3A_579[0] : i32 from vector<1xi32>
        %add3A_581 = arith.addi %add3A_578, %squeeze3A_580 : i32
        %slice3A_582 = vector.extract_strided_slice %select_n3A_573 {offsets = [3], sizes = [1], strides = [1]} : vector<16xi32> to vector<1xi32>
        %squeeze3A_583 = vector.extract %slice3A_582[0] : i32 from vector<1xi32>
        %add3A_584 = arith.addi %add3A_581, %squeeze3A_583 : i32
        %slice3A_585 = vector.extract_strided_slice %select_n3A_573 {offsets = [4], sizes = [1], strides = [1]} : vector<16xi32> to vector<1xi32>
        %squeeze3A_586 = vector.extract %slice3A_585[0] : i32 from vector<1xi32>
        %add3A_587 = arith.addi %add3A_584, %squeeze3A_586 : i32
        %slice3A_588 = vector.extract_strided_slice %select_n3A_573 {offsets = [5], sizes = [1], strides = [1]} : vector<16xi32> to vector<1xi32>
        %squeeze3A_589 = vector.extract %slice3A_588[0] : i32 from vector<1xi32>
        %add3A_590 = arith.addi %add3A_587, %squeeze3A_589 : i32
        %slice3A_591 = vector.extract_strided_slice %select_n3A_573 {offsets = [6], sizes = [1], strides = [1]} : vector<16xi32> to vector<1xi32>
        %squeeze3A_592 = vector.extract %slice3A_591[0] : i32 from vector<1xi32>
        %add3A_593 = arith.addi %add3A_590, %squeeze3A_592 : i32
        %slice3A_594 = vector.extract_strided_slice %select_n3A_573 {offsets = [7], sizes = [1], strides = [1]} : vector<16xi32> to vector<1xi32>
        %squeeze3A_595 = vector.extract %slice3A_594[0] : i32 from vector<1xi32>
        %add3A_596 = arith.addi %add3A_593, %squeeze3A_595 : i32
        %slice3A_597 = vector.extract_strided_slice %select_n3A_573 {offsets = [8], sizes = [1], strides = [1]} : vector<16xi32> to vector<1xi32>
        %squeeze3A_598 = vector.extract %slice3A_597[0] : i32 from vector<1xi32>
        %add3A_599 = arith.addi %add3A_596, %squeeze3A_598 : i32
        %slice3A_600 = vector.extract_strided_slice %select_n3A_573 {offsets = [9], sizes = [1], strides = [1]} : vector<16xi32> to vector<1xi32>
        %squeeze3A_601 = vector.extract %slice3A_600[0] : i32 from vector<1xi32>
        %add3A_602 = arith.addi %add3A_599, %squeeze3A_601 : i32
        %slice3A_603 = vector.extract_strided_slice %select_n3A_573 {offsets = [10], sizes = [1], strides = [1]} : vector<16xi32> to vector<1xi32>
        %squeeze3A_604 = vector.extract %slice3A_603[0] : i32 from vector<1xi32>
        %add3A_605 = arith.addi %add3A_602, %squeeze3A_604 : i32
        %slice3A_606 = vector.extract_strided_slice %select_n3A_573 {offsets = [11], sizes = [1], strides = [1]} : vector<16xi32> to vector<1xi32>
        %squeeze3A_607 = vector.extract %slice3A_606[0] : i32 from vector<1xi32>
        %add3A_608 = arith.addi %add3A_605, %squeeze3A_607 : i32
        %slice3A_609 = vector.extract_strided_slice %select_n3A_573 {offsets = [12], sizes = [1], strides = [1]} : vector<16xi32> to vector<1xi32>
        %squeeze3A_610 = vector.extract %slice3A_609[0] : i32 from vector<1xi32>
        %add3A_611 = arith.addi %add3A_608, %squeeze3A_610 : i32
        %slice3A_612 = vector.extract_strided_slice %select_n3A_573 {offsets = [13], sizes = [1], strides = [1]} : vector<16xi32> to vector<1xi32>
        %squeeze3A_613 = vector.extract %slice3A_612[0] : i32 from vector<1xi32>
        %add3A_614 = arith.addi %add3A_611, %squeeze3A_613 : i32
        %slice3A_615 = vector.extract_strided_slice %select_n3A_573 {offsets = [14], sizes = [1], strides = [1]} : vector<16xi32> to vector<1xi32>
        %squeeze3A_616 = vector.extract %slice3A_615[0] : i32 from vector<1xi32>
        %add3A_617 = arith.addi %add3A_614, %squeeze3A_616 : i32
        %slice3A_618 = vector.extract_strided_slice %select_n3A_573 {offsets = [15], sizes = [1], strides = [1]} : vector<16xi32> to vector<1xi32>
        %squeeze3A_619 = vector.extract %slice3A_618[0] : i32 from vector<1xi32>
        %add3A_620 = arith.addi %add3A_617, %squeeze3A_619 : i32
        %lt3A_621 = arith.constant 0 : i32
        %lt3A_622 = arith.cmpi slt, %add3A_620, %lt3A_621 : i32
        %jit3A_623 = arith.constant 391 : i32
        %select_n3A_624 = arith.select %lt3A_622, %jit3A_623, %add3A_620 : i32
        %mul3A_625 = arith.constant 6272 : i32
        %mul3A_626 = arith.muli %min3A, %mul3A_625 : i32
        %mul3A_627 = arith.constant 16 : i32
        %mul3A_628 = arith.muli %select_n3A_624, %mul3A_627 : i32
        %add3A_629 = arith.addi %mul3A_626, %mul3A_628 : i32
        %add3A_630 = arith.addi %add3A_629, %min3A_558 : i32
        %min3A_631 = arith.constant 99999 : i32
        %min3A_632 = arith.minsi %add3A_630, %min3A_631 : i32
        %get3A_633 = arith.constant 80 : index
        %get3A_634 = tpu.vector_load %arg7[%get3A_633] {strides = array<i32>} : memref<128xi32, #tpu.memory_space<vmem>>, vector<16xi32>,
        %get3A_635 = vector.shape_cast %get3A_634 : vector<16xi32> to vector<16xi32>
        %eq3A_636 = arith.constant 1 : i32
        %eq3A_637 = vector.broadcast %eq3A_636 : i32 to vector<16xi32>
        %eq3A_638 = arith.cmpi eq, %iota3A, %eq3A_637 : vector<16xi32>
        %broadcast_in_dim3A_639 = vector.broadcast %min3A_632 : i32 to vector<16xi32>
        %select_n3A_640 = arith.select %eq3A_638, %broadcast_in_dim3A_639, %get3A_635 : vector<16xi1>, vector<16xi32>
        %swap3A_641 = arith.constant 80 : index
        %swap3A_642 = tpu.vector_load %arg7[%swap3A_641] {strides = array<i32>} : memref<128xi32, #tpu.memory_space<vmem>>, vector<16xi32>,
        %swap3A_643 = vector.shape_cast %swap3A_642 : vector<16xi32> to vector<16xi32>
        %swap3A_644 = vector.shape_cast %select_n3A_640 : vector<16xi32> to vector<16xi32>
        tpu.vector_store %arg7[%swap3A_641], %swap3A_644 {strides = array<i32>} : memref<128xi32, #tpu.memory_space<vmem>>, vector<16xi32>,
      } else {
      }
      "tpu.region"() ({
        %run_scoped3A = tpu.sem_alloc : memref<!tpu.dma_semaphore, #tpu.memory_space<semaphore_mem>>
        tpu.enqueue_dma source(%arg7 : memref<128xi32, #tpu.memory_space<vmem>>) target(%arg4 : memref<128xi32, #tpu.memory_space<hbm>>) target_semaphore(%run_scoped3A : memref<!tpu.dma_semaphore, #tpu.memory_space<semaphore_mem>>)
        tpu.wait_dma2 semaphore(%run_scoped3A : memref<!tpu.dma_semaphore, #tpu.memory_space<semaphore_mem>>) src(%arg7 : memref<128xi32, #tpu.memory_space<vmem>>) dst(%arg4 : memref<128xi32, #tpu.memory_space<hbm>>)
        tpu.yield
      }) : () -> ()
    } else {
    }
    return
  }
}

module attributes {stable_mosaic.version = 14 : i64} {
  func.func @_p3_body(%arg0: memref<100000x128xf32, #tpu.memory_space<hbm>>, %arg1: memref<128xi32, #tpu.memory_space<smem>>, %arg2: memref<1xf32, #tpu.memory_space<smem>>, %arg3: memref<100000x128xf32, #tpu.memory_space<hbm>>, %arg4: memref<8x128xf32, #tpu.memory_space<vmem>>, %arg5: memref<!tpu.dma_semaphore, #tpu.memory_space<semaphore_mem>>) attributes {dimension_semantics = [], scalar_prefetch = 0 : i64, scratch_operands = 2 : i64, tpu.core_type = #tpu.core_type<tc>} {
    %get3A = arith.constant 81 : index
    %get3A_0 = memref.load %arg1[%get3A] : memref<128xi32, #tpu.memory_space<smem>>
    %gt3A = arith.constant 0 : i32
    %gt3A_1 = arith.cmpi sgt, %get3A_0, %gt3A : i32
    %convert_element_type3A = arith.extui %gt3A_1 : i1 to i32
    %cond3A = arith.constant 0 : i32
    %cond3A_2 = arith.cmpi ne, %convert_element_type3A, %cond3A : i32
    scf.if %cond3A_2 {
      %jit3A = arith.constant 8 : i32
      %div3A = arith.divsi %get3A_0, %jit3A : i32
      %sign3A = arith.constant 0 : i32
      %sign3A_3 = arith.cmpi sgt, %get3A_0, %sign3A : i32
      %sign3A_4 = arith.extui %sign3A_3 : i1 to i32
      %sign3A_5 = arith.constant 0 : i32
      %sign3A_6 = arith.cmpi slt, %get3A_0, %sign3A_5 : i32
      %sign3A_7 = arith.extui %sign3A_6 : i1 to i32
      %sign3A_8 = arith.subi %sign3A_4, %sign3A_7 : i32
      %sign3A_9 = arith.constant 0 : i32
      %sign3A_10 = arith.cmpi sgt, %jit3A, %sign3A_9 : i32
      %sign3A_11 = arith.extui %sign3A_10 : i1 to i32
      %sign3A_12 = arith.constant 0 : i32
      %sign3A_13 = arith.cmpi slt, %jit3A, %sign3A_12 : i32
      %sign3A_14 = arith.extui %sign3A_13 : i1 to i32
      %sign3A_15 = arith.subi %sign3A_11, %sign3A_14 : i32
      %ne3A = arith.cmpi ne, %sign3A_8, %sign3A_15 : i32
      %rem3A = arith.remsi %get3A_0, %jit3A : i32
      %ne3A_16 = arith.constant 0 : i32
      %ne3A_17 = arith.cmpi ne, %rem3A, %ne3A_16 : i32
      %and3A = arith.andi %ne3A, %ne3A_17 : i1
      %sub3A = arith.constant 1 : i32
      %sub3A_18 = arith.subi %div3A, %sub3A : i32
      %select_n3A = arith.select %and3A, %sub3A_18, %div3A : i32
      %mul3A = arith.constant 8 : i32
      %mul3A_19 = arith.muli %select_n3A, %mul3A : i32
      %sub3A_20 = arith.subi %get3A_0, %mul3A_19 : i32
      %dma_start3A = arith.constant 0 : i32
      %dma_start3A_21 = tpu.memref_slice %arg3[%mul3A_19, %dma_start3A] : memref<100000x128xf32, #tpu.memory_space<hbm>> -> memref<8x128xf32, #tpu.memory_space<hbm>>
      tpu.enqueue_dma source(%dma_start3A_21 : memref<8x128xf32, #tpu.memory_space<hbm>>) target(%arg4 : memref<8x128xf32, #tpu.memory_space<vmem>>) target_semaphore(%arg5 : memref<!tpu.dma_semaphore, #tpu.memory_space<semaphore_mem>>)
      %dma_wait3A = arith.constant 0 : i32
      %dma_wait3A_22 = tpu.memref_slice %arg3[%mul3A_19, %dma_wait3A] : memref<100000x128xf32, #tpu.memory_space<hbm>> -> memref<8x128xf32, #tpu.memory_space<hbm>>
      tpu.wait_dma2 semaphore(%arg5 : memref<!tpu.dma_semaphore, #tpu.memory_space<semaphore_mem>>) src(%dma_wait3A_22 : memref<8x128xf32, #tpu.memory_space<hbm>>) dst(%arg4 : memref<8x128xf32, #tpu.memory_space<vmem>>)
      %iota3A = tpu.iota {dimensions = array<i32: 0>} : vector<8x128xi32>
      %iota3A_23 = tpu.iota {dimensions = array<i32: 1>} : vector<8x128xi32>
      %get3A_24 = arith.constant 0 : index
      %get3A_25 = arith.constant 0 : index
      %get3A_26 = vector.load %arg4[%get3A_24, %get3A_25] : memref<8x128xf32, #tpu.memory_space<vmem>>, vector<8x128xf32>
      %eq3A = vector.broadcast %sub3A_20 : i32 to vector<8x128xi32>
      %eq3A_27 = arith.cmpi eq, %iota3A, %eq3A : vector<8x128xi32>
      %eq3A_28 = arith.constant 81 : i32
      %eq3A_29 = vector.broadcast %eq3A_28 : i32 to vector<8x128xi32>
      %eq3A_30 = arith.cmpi eq, %iota3A_23, %eq3A_29 : vector<8x128xi32>
      %and3A_31 = arith.andi %eq3A_27, %eq3A_30 : vector<8x128xi1>
      %get3A_32 = arith.constant 0 : index
      %get3A_33 = memref.load %arg2[%get3A_32] : memref<1xf32, #tpu.memory_space<smem>>
      %jit3A_34 = arith.constant 0.000000e+00 : f32
      %broadcast_in_dim3A = vector.broadcast %get3A_33 : f32 to vector<8x128xf32>
      %broadcast_in_dim3A_35 = vector.broadcast %jit3A_34 : f32 to vector<8x128xf32>
      %select_n3A_36 = arith.select %and3A_31, %broadcast_in_dim3A, %broadcast_in_dim3A_35 : vector<8x128xi1>, vector<8x128xf32>
      %add3A = arith.addf %get3A_26, %select_n3A_36 : vector<8x128xf32>
      %swap3A = arith.constant 0 : index
      %swap3A_37 = arith.constant 0 : index
      %swap3A_38 = vector.load %arg4[%swap3A, %swap3A_37] : memref<8x128xf32, #tpu.memory_space<vmem>>, vector<8x128xf32>
      tpu.vector_store %arg4[%swap3A, %swap3A_37], %add3A {strides = array<i32>} : memref<8x128xf32, #tpu.memory_space<vmem>>, vector<8x128xf32>,
      %dma_start3A_39 = arith.constant 0 : i32
      %dma_start3A_40 = tpu.memref_slice %arg3[%mul3A_19, %dma_start3A_39] : memref<100000x128xf32, #tpu.memory_space<hbm>> -> memref<8x128xf32, #tpu.memory_space<hbm>>
      tpu.enqueue_dma source(%arg4 : memref<8x128xf32, #tpu.memory_space<vmem>>) target(%dma_start3A_40 : memref<8x128xf32, #tpu.memory_space<hbm>>) target_semaphore(%arg5 : memref<!tpu.dma_semaphore, #tpu.memory_space<semaphore_mem>>)
      %dma_wait3A_41 = arith.constant 0 : i32
      %dma_wait3A_42 = tpu.memref_slice %arg3[%mul3A_19, %dma_wait3A_41] : memref<100000x128xf32, #tpu.memory_space<hbm>> -> memref<8x128xf32, #tpu.memory_space<hbm>>
      tpu.wait_dma2 semaphore(%arg5 : memref<!tpu.dma_semaphore, #tpu.memory_space<semaphore_mem>>) src(%arg4 : memref<8x128xf32, #tpu.memory_space<vmem>>) dst(%dma_wait3A_42 : memref<8x128xf32, #tpu.memory_space<hbm>>)
    } else {
    }
    return
  }
}

module attributes {stable_mosaic.version = 14 : i64} {
  func.func @_p1_body(%arg0: i32, %arg1: memref<12544x128xf32, #tpu.memory_space<vmem>>, %arg2: memref<1x12544xf32, #tpu.memory_space<vmem>>, %arg3: memref<12544x128xf32, #tpu.memory_space<vmem>>, %arg4: memref<1x12544xf32, #tpu.memory_space<vmem>>, %arg5: memref<1x32xf32, #tpu.memory_space<vmem>>) attributes {dimension_semantics = [#tpu.dimension_semantics<arbitrary>], iteration_bounds = array<i64: 8>, scalar_prefetch = 0 : i64, scratch_operands = 0 : i64, tpu.core_type = #tpu.core_type<tc>, window_params = [{transform_indices = @transform_0, window_bounds = array<i64: 12544, 128>}, {transform_indices = @transform_1, window_bounds = array<i64: 1, 12544>}, {transform_indices = @transform_2, window_bounds = array<i64: 12544, 128>}, {transform_indices = @transform_3, window_bounds = array<i64: 1, 12544>}, {pipeline_mode = #tpu.pipeline_mode<synchronous>, transform_indices = @transform_4, window_bounds = array<i64: 1, 32>}]} {
    %get3A = arith.constant 0 : index
    %get3A_0 = arith.constant 0 : index
    %get3A_1 = vector.load %arg1[%get3A, %get3A_0] : memref<12544x128xf32, #tpu.memory_space<vmem>>, vector<12544x128xf32>
    %swap3A = arith.constant 0 : index
    %swap3A_2 = arith.constant 0 : index
    %swap3A_3 = vector.load %arg3[%swap3A, %swap3A_2] : memref<12544x128xf32, #tpu.memory_space<vmem>>, vector<12544x128xf32>
    tpu.vector_store %arg3[%swap3A, %swap3A_2], %get3A_1 {strides = array<i32>} : memref<12544x128xf32, #tpu.memory_space<vmem>>, vector<12544x128xf32>,
    %broadcast_in_dim3A = arith.constant 1.000000e+00 : f32
    %broadcast_in_dim3A_4 = vector.broadcast %broadcast_in_dim3A : f32 to vector<1x128xf32>
    %abs3A = math.absf %get3A_1 : vector<12544x128xf32>
    %dot_general3A = arith.constant dense<0.000000e+00> : vector<1x12544xf32>
    %dot_general3A_5 = tpu.matmul %broadcast_in_dim3A_4, %abs3A, %dot_general3A {dimension_numbers = #tpu.dot_dimension_numbers<[1], [1], [0], [0], [0, 0, 1, 0], [], []>, transpose_lhs_hint = false} : vector<1x128xf32>, vector<12544x128xf32>, vector<1x12544xf32> -> vector<1x12544xf32>
    %mul3A = arith.constant 7.812500e-03 : f32
    %mul3A_6 = vector.broadcast %mul3A : f32 to vector<1x12544xf32>
    %mul3A_7 = arith.mulf %dot_general3A_5, %mul3A_6 : vector<1x12544xf32>
    %iota3A = tpu.iota {dimensions = array<i32: 1>} : vector<1x12544xi32>
    %mul3A_8 = arith.constant 12544 : i32
    %mul3A_9 = arith.muli %arg0, %mul3A_8 : i32
    %add3A = vector.broadcast %mul3A_9 : i32 to vector<1x12544xi32>
    %add3A_10 = arith.addi %add3A, %iota3A : vector<1x12544xi32>
    %lt3A = arith.constant 100000 : i32
    %lt3A_11 = vector.broadcast %lt3A : i32 to vector<1x12544xi32>
    %lt3A_12 = arith.cmpi slt, %add3A_10, %lt3A_11 : vector<1x12544xi32>
    %get3A_13 = arith.constant 0 : index
    %get3A_14 = arith.constant 0 : index
    %get3A_15 = vector.load %arg2[%get3A_13, %get3A_14] : memref<1x12544xf32, #tpu.memory_space<vmem>>, vector<1x12544xf32>
    %jit3A = arith.constant 0.000000e+00 : f32
    %broadcast_in_dim3A_16 = vector.broadcast %jit3A : f32 to vector<1x12544xf32>
    %select_n3A = arith.select %lt3A_12, %get3A_15, %broadcast_in_dim3A_16 : vector<1x12544xi1>, vector<1x12544xf32>
    %mul3A_17 = arith.constant 9.700000e-01 : f32
    %mul3A_18 = vector.broadcast %mul3A_17 : f32 to vector<1x12544xf32>
    %mul3A_19 = arith.mulf %mul3A_18, %select_n3A : vector<1x12544xf32>
    %mul3A_20 = arith.constant 3.000000e-02 : f32
    %mul3A_21 = vector.broadcast %mul3A_20 : f32 to vector<1x12544xf32>
    %mul3A_22 = arith.mulf %mul3A_21, %mul3A_7 : vector<1x12544xf32>
    %add3A_23 = arith.addf %mul3A_19, %mul3A_22 : vector<1x12544xf32>
    %mul3A_24 = arith.constant -5.000000e+00 : f32
    %mul3A_25 = vector.broadcast %mul3A_24 : f32 to vector<1x12544xf32>
    %mul3A_26 = arith.mulf %mul3A_25, %add3A_23 : vector<1x12544xf32>
    %exp3A = math.exp %mul3A_26 : vector<1x12544xf32>
    %jit3A_27 = arith.constant 0.000000e+00 : f32
    %broadcast_in_dim3A_28 = vector.broadcast %jit3A_27 : f32 to vector<1x12544xf32>
    %select_n3A_29 = arith.select %lt3A_12, %exp3A, %broadcast_in_dim3A_28 : vector<1x12544xi1>, vector<1x12544xf32>
    %swap3A_30 = arith.constant 0 : index
    %swap3A_31 = arith.constant 0 : index
    %swap3A_32 = vector.load %arg4[%swap3A_30, %swap3A_31] : memref<1x12544xf32, #tpu.memory_space<vmem>>, vector<1x12544xf32>
    tpu.vector_store %arg4[%swap3A_30, %swap3A_31], %select_n3A_29 {strides = array<i32>} : memref<1x12544xf32, #tpu.memory_space<vmem>>, vector<1x12544xf32>,
    %iota3A_33 = tpu.iota {dimensions = array<i32: 1>} : vector<1x32xi32>
    %eq3A = arith.constant 16 : i32
    %eq3A_34 = vector.broadcast %eq3A : i32 to vector<1x32xi32>
    %eq3A_35 = arith.cmpi eq, %iota3A_33, %eq3A_34 : vector<1x32xi32>
    %eq3A_36 = arith.constant 0 : i32
    %eq3A_37 = arith.cmpi eq, %arg0, %eq3A_36 : i32
    %and3A = vector.broadcast %eq3A_37 : i1 to vector<1x32xi1>
    %and3A_38 = arith.andi %eq3A_35, %and3A : vector<1x32xi1>
    %slice3A = vector.extract_strided_slice %select_n3A_29 {offsets = [0, 0], sizes = [1, 1], strides = [1, 1]} : vector<1x12544xf32> to vector<1x1xf32>
    %squeeze3A = vector.extract %slice3A[0, 0] : f32 from vector<1x1xf32>
    %jit3A_39 = arith.constant 0.000000e+00 : f32
    %broadcast_in_dim3A_40 = vector.broadcast %squeeze3A : f32 to vector<1x32xf32>
    %broadcast_in_dim3A_41 = vector.broadcast %jit3A_39 : f32 to vector<1x32xf32>
    %select_n3A_42 = arith.select %and3A_38, %broadcast_in_dim3A_40, %broadcast_in_dim3A_41 : vector<1x32xi1>, vector<1x32xf32>
    %slice3A_43 = vector.extract_strided_slice %select_n3A_29 {offsets = [0, 0], sizes = [1, 6272], strides = [1, 1]} : vector<1x12544xf32> to vector<1x6272xf32>
    %reduce_sum3A = vector.shape_cast %slice3A_43 : vector<1x6272xf32> to vector<1x1x6272xf32>
    %reduce_sum3A_44 = arith.constant dense<0.000000e+00> : vector<1xf32>
    %reduce_sum3A_45 = vector.multi_reduction <add>, %reduce_sum3A, %reduce_sum3A_44 [1, 2] : vector<1x1x6272xf32> to vector<1xf32>
    %reduce_sum3A_46 = vector.shape_cast %reduce_sum3A_45 : vector<1xf32> to vector<1x1x1xf32>
    %reduce_sum3A_47 = vector.extract %reduce_sum3A_46[0, 0, 0] : f32 from vector<1x1x1xf32>
    %mul3A_48 = arith.constant 2 : i32
    %mul3A_49 = arith.muli %arg0, %mul3A_48 : i32
    %add3A_50 = arith.constant 0 : i32
    %add3A_51 = arith.addi %mul3A_49, %add3A_50 : i32
    %eq3A_52 = vector.broadcast %add3A_51 : i32 to vector<1x32xi32>
    %eq3A_53 = arith.cmpi eq, %iota3A_33, %eq3A_52 : vector<1x32xi32>
    %jit3A_54 = arith.constant 0.000000e+00 : f32
    %broadcast_in_dim3A_55 = vector.broadcast %reduce_sum3A_47 : f32 to vector<1x32xf32>
    %broadcast_in_dim3A_56 = vector.broadcast %jit3A_54 : f32 to vector<1x32xf32>
    %select_n3A_57 = arith.select %eq3A_53, %broadcast_in_dim3A_55, %broadcast_in_dim3A_56 : vector<1x32xi1>, vector<1x32xf32>
    %add3A_58 = arith.addf %select_n3A_42, %select_n3A_57 : vector<1x32xf32>
    %slice3A_59 = vector.extract_strided_slice %select_n3A_29 {offsets = [0, 6272], sizes = [1, 6272], strides = [1, 1]} : vector<1x12544xf32> to vector<1x6272xf32>
    %reduce_sum3A_60 = vector.shape_cast %slice3A_59 : vector<1x6272xf32> to vector<1x1x6272xf32>
    %reduce_sum3A_61 = arith.constant dense<0.000000e+00> : vector<1xf32>
    %reduce_sum3A_62 = vector.multi_reduction <add>, %reduce_sum3A_60, %reduce_sum3A_61 [1, 2] : vector<1x1x6272xf32> to vector<1xf32>
    %reduce_sum3A_63 = vector.shape_cast %reduce_sum3A_62 : vector<1xf32> to vector<1x1x1xf32>
    %reduce_sum3A_64 = vector.extract %reduce_sum3A_63[0, 0, 0] : f32 from vector<1x1x1xf32>
    %mul3A_65 = arith.constant 2 : i32
    %mul3A_66 = arith.muli %arg0, %mul3A_65 : i32
    %add3A_67 = arith.constant 1 : i32
    %add3A_68 = arith.addi %mul3A_66, %add3A_67 : i32
    %eq3A_69 = vector.broadcast %add3A_68 : i32 to vector<1x32xi32>
    %eq3A_70 = arith.cmpi eq, %iota3A_33, %eq3A_69 : vector<1x32xi32>
    %jit3A_71 = arith.constant 0.000000e+00 : f32
    %broadcast_in_dim3A_72 = vector.broadcast %reduce_sum3A_64 : f32 to vector<1x32xf32>
    %broadcast_in_dim3A_73 = vector.broadcast %jit3A_71 : f32 to vector<1x32xf32>
    %select_n3A_74 = arith.select %eq3A_70, %broadcast_in_dim3A_72, %broadcast_in_dim3A_73 : vector<1x32xi1>, vector<1x32xf32>
    %add3A_75 = arith.addf %add3A_58, %select_n3A_74 : vector<1x32xf32>
    %eq3A_76 = arith.constant 0 : i32
    %eq3A_77 = arith.cmpi eq, %arg0, %eq3A_76 : i32
    %convert_element_type3A = arith.extui %eq3A_77 : i1 to i32
    %cond3A = arith.constant 0 : i32
    %cond3A_78 = arith.cmpi ne, %convert_element_type3A, %cond3A : i32
    scf.if %cond3A_78 {
      %swap3A_83 = arith.constant 0 : index
      %swap3A_84 = arith.constant 0 : index
      %swap3A_85 = vector.load %arg5[%swap3A_83, %swap3A_84] : memref<1x32xf32, #tpu.memory_space<vmem>>, vector<1x32xf32>
      tpu.vector_store %arg5[%swap3A_83, %swap3A_84], %add3A_75 {strides = array<i32>} : memref<1x32xf32, #tpu.memory_space<vmem>>, vector<1x32xf32>,
    } else {
    }
    %gt3A = arith.constant 0 : i32
    %gt3A_79 = arith.cmpi sgt, %arg0, %gt3A : i32
    %convert_element_type3A_80 = arith.extui %gt3A_79 : i1 to i32
    %cond3A_81 = arith.constant 0 : i32
    %cond3A_82 = arith.cmpi ne, %convert_element_type3A_80, %cond3A_81 : i32
    scf.if %cond3A_82 {
      %get3A_83 = arith.constant 0 : index
      %get3A_84 = arith.constant 0 : index
      %get3A_85 = vector.load %arg5[%get3A_83, %get3A_84] : memref<1x32xf32, #tpu.memory_space<vmem>>, vector<1x32xf32>
      %add3A_86 = arith.addf %get3A_85, %add3A_75 : vector<1x32xf32>
      %swap3A_87 = arith.constant 0 : index
      %swap3A_88 = arith.constant 0 : index
      %swap3A_89 = vector.load %arg5[%swap3A_87, %swap3A_88] : memref<1x32xf32, #tpu.memory_space<vmem>>, vector<1x32xf32>
      tpu.vector_store %arg5[%swap3A_87, %swap3A_88], %add3A_86 {strides = array<i32>} : memref<1x32xf32, #tpu.memory_space<vmem>>, vector<1x32xf32>,
    } else {
    }
    return
  }
  func.func @transform_0(%arg0: i32) -> (i32, i32) {
    %c0_i32 = arith.constant 0 : i32
    %c0_i32_0 = arith.constant 0 : i32
    return %arg0, %c0_i32 : i32, i32
  }
  func.func @transform_1(%arg0: i32) -> (i32, i32) {
    %c0_i32 = arith.constant 0 : i32
    %c0_i32_0 = arith.constant 0 : i32
    return %c0_i32, %arg0 : i32, i32
  }
  func.func @transform_2(%arg0: i32) -> (i32, i32) {
    %c0_i32 = arith.constant 0 : i32
    %c0_i32_0 = arith.constant 0 : i32
    return %arg0, %c0_i32 : i32, i32
  }
  func.func @transform_3(%arg0: i32) -> (i32, i32) {
    %c0_i32 = arith.constant 0 : i32
    %c0_i32_0 = arith.constant 0 : i32
    return %c0_i32, %arg0 : i32, i32
  }
  func.func @transform_4(%arg0: i32) -> (i32, i32) {
    %c0_i32 = arith.constant 0 : i32
    %c0_i32_0 = arith.constant 0 : i32
    %c0_i32_1 = arith.constant 0 : i32
    return %c0_i32, %c0_i32_0 : i32, i32
  }
}

</mosaic_0001>

<sc_bundles>
// kernel: kernel.5.cloned.1.call-start
scs
__scs_entry_jumppad:
0x0: {  	(pc) =	sbr.rel $0x88, $3  }
0x1: {  	(tag) =	ssettag $0x0;
	lr =	simm.s32 $0x1  }
0x2: {  	[smem:$0x3F9E] =	sst lr;
	_ =	strace $0xD0000000  }
0x3: {  	_ = 	snop  }
0x4: {  	_ = 	snop  }
0x5: {  	_ = 	snop  }
0x6: {  	_ = 	snop  }
0x7: {  	_ = 	snop  }
__scs_overlays_trampoline_lowered:
0x8: {  	[smem:$0x3FAD] =	sst s0  }
0x9: {  	[smem:$0x3FAE] =	sst s1  }
0xa: {  	[smem:$0x3FAF] =	sst s2  }
0xb: {  	[smem:$0x3FB0] =	sst s3  }
0xc: {  	[smem:$0x3FB1] =	sst s4  }
0xd: {  	[smem:$0x3FB2] =	sst s5  }
0xe: {  	[smem:$0x3FB3] =	sst s6  }
0xf: {  	[smem:$0x3FB4] =	sst s7  }
0x10: {  	[smem:$0x3FB5] =	sst s8  }
0x11: {  	[smem:$0x3FB6] =	sst s9;
	s0 =	simm.s32 @!p0 $0x0  }
0x12: {  	s1 =	sld [smem:$0x3F9C];
	s0 =	simm.s32 @p0 $0x1  }
0x13: {  	[smem:$0x3FB7] =	sst s0;
	s0 =	simm.s32 @!p1 $0x0  }
0x14: {  	s2 =	sld [smem:$0x3F9B];
	s0 =	simm.s32 @p1 $0x1  }
0x15: {  	[smem:$0x3FB8] =	sst s0;
	s0 =	simm.s32 @!p2 $0x0  }
0x16: {  	s3 =	sld [smem:$0x3FDB];
	s0 =	simm.s32 @p2 $0x1  }
0x17: {  	s4 =	simm.s32 $0x1BF5;
	[smem:$0x3FBA] =	sst s0  }
0x18: {  	s0 =	sld [smem:$0x3F9D];
	_ =	swait.ge [sflag:s4], $0x0  }
0x19: {  	s7 =	sld [smem:$0x3F9E]  }
0x1a: {  	s8 =	sadd.s32 $0xFFFFE003, lr  }
0x1b: {  	s9 =	sadd.s32 $0xFFFFFEF7, lr;
	s5 =	simm.s32 $0xFFFFFFFF;
	p2 =	slt.u32 s8, $0xFFFFF086  }
0x1c: {  	p1 =	slt.u32 s9, $0xF7A;
	s5 =	simm.s32 @!p2 $0x0  }
0x1d: {  	s5 =	simm.s32 @p1 $0x1;
	p0 =	seq.s32 s7, s2  }
0x1e: {  	s7 =	smul.u32 @!p0 $0xF7A, s2;
	p2 =	seq.s32 @!p0 s5, $0x0  }
0x1f: {  	s9 =	smul.u32 $0xF7A, s1;
	s8 =	simm.s32 @!p0 $0x1BF5;
	p2 =	por !p2, p0  }
0x20: {  	[sflag:s8] =	ssyncset.s32 @!p0 $0xFFFFF086;
	s6 =	sadd.s32 @!p0 s3, s7;
	s7 =	simm.s32 @!p0 $0x108  }
0x21: {  	s3 =	sadd.s32 s3, s9;
	s6 =	sadd.s32 @!p0 $0x88, s6;
	s7 =	simm.s32 @p2 $0x1082  }
0x22: {  	[simem:s7], [sflag:s8] =	dma.local @!p0 [hbm:s6], $0xF7A  }
0x23: {  	s9 =	sor.u32 $0xD0000000, s2;
	s6 =	simm.s32 $0x108;
	_ =	swait.ge @!p0 [sflag:s8], $0x0  }
0x24: {  	s3 =	sadd.s32 $0x88, s3;
	s6 =	simm.s32 @!p1 $0x1082;
	[sflag:s4] =	ssyncset.s32 $0xFFFFF086  }
0x25: {  	[simem:s6], [sflag:s4] =	dma.local [hbm:s3], $0xF7A  }
0x26: {  	[smem:$0x3F9E] =	sst s1;
	(tag) =	ssettag s2;
	_ =	strace s9  }
0x27: {  	s1 =	sld [smem:$0x3FAE]  }
0x28: {  	s2 =	sld [smem:$0x3FAF]  }
0x29: {  	s4 =	sld [smem:$0x3FB1]  }
0x2a: {  	p0 =	seq.s32 s5, $0x0;
	s5 =	sld [smem:$0x3FB2]  }
0x2b: {  	s6 =	sld [smem:$0x3FB3]  }
0x2c: {  	s7 =	sld [smem:$0x3FB4]  }
0x2d: {  	s3 =	simm.s32 $0x108;
	s8 =	sld [smem:$0x3FB5]  }
0x2e: {  	s3 =	simm.s32 @!p0 $0x1082;
	s9 =	sld [smem:$0x3FB6]  }
0x2f: {  	lr =	sadd.s32 s0, s3;
	s0 =	sld [smem:$0x3FAD]  }
0x30: {  	s3 =	sld [smem:$0x3FB0]  }
0x31: {  	[smem:$0x3FB9] =	sst s10  }
0x32: {  	s10 =	sld [smem:$0x3FB7];
	_ =	sdelay $0x3  }
0x33: {  	p0 =	seq.s32 s10, $0x1;
	s10 =	sld [smem:$0x3FB9];
	_ =	sdelay $0x3  }
0x34: {  	[smem:$0x3FB9] =	sst s10  }
0x35: {  	s10 =	sld [smem:$0x3FB8];
	_ =	sdelay $0x3  }
0x36: {  	p1 =	seq.s32 s10, $0x1;
	s10 =	sld [smem:$0x3FB9];
	_ =	sdelay $0x3  }
0x37: {  	[smem:$0x3FB9] =	sst s10  }
0x38: {  	s10 =	sld [smem:$0x3FBA]  }
0x39: {  	_ = 	snop;
	(pc) =	sbr.ind lr, $3  }
0x3a: {  	_ = 	snop  }
0x3b: {  	_ = 	snop  }
0x3c: {  	p2 =	seq.s32 s10, $0x1;
	s10 =	sld [smem:$0x3FB9]  }
0x3d: {  	_ =	shalt  }
0x3e: {  	_ =	shalt  }
0x3f: {  	_ =	shalt  }
0x40: {  	_ =	shalt  }
0x41: {  	_ =	shalt  }
0x42: {  	_ =	shalt  }
0x43: {  	_ =	shalt  }
0x44: {  	_ =	shalt  }
0x45: {  	_ =	shalt  }
0x46: {  	_ =	shalt  }
0x47: {  	_ =	shalt  }
0x48: {  	_ =	shalt  }
0x49: {  	_ =	shalt  }
0x4a: {  	_ =	shalt  }
0x4b: {  	_ =	shalt  }
0x4c: {  	_ =	shalt  }
0x4d: {  	_ =	shalt  }
0x4e: {  	_ =	shalt  }
0x4f: {  	_ =	shalt  }
0x50: {  	_ =	shalt  }
0x51: {  	_ =	shalt  }
0x52: {  	_ =	shalt  }
0x53: {  	_ =	shalt  }
0x54: {  	_ =	shalt  }
0x55: {  	_ =	shalt  }
0x56: {  	_ =	shalt  }
0x57: {  	_ =	shalt  }
0x58: {  	_ =	shalt  }
0x59: {  	_ =	shalt  }
0x5a: {  	_ =	shalt  }
0x5b: {  	_ =	shalt  }
0x5c: {  	_ =	shalt  }
0x5d: {  	_ =	shalt  }
0x5e: {  	_ =	shalt  }
0x5f: {  	_ =	shalt  }
0x60: {  	_ =	shalt  }
0x61: {  	_ =	shalt  }
0x62: {  	_ =	shalt  }
0x63: {  	_ =	shalt  }
0x64: {  	_ =	shalt  }
0x65: {  	_ =	shalt  }
0x66: {  	_ =	shalt  }
0x67: {  	_ =	shalt  }
0x68: {  	_ =	shalt  }
0x69: {  	_ =	shalt  }
0x6a: {  	_ =	shalt  }
0x6b: {  	_ =	shalt  }
0x6c: {  	_ =	shalt  }
0x6d: {  	_ =	shalt  }
0x6e: {  	_ =	shalt  }
0x6f: {  	_ =	shalt  }
0x70: {  	_ =	shalt  }
0x71: {  	_ =	shalt  }
0x72: {  	_ =	shalt  }
0x73: {  	_ =	shalt  }
0x74: {  	_ =	shalt  }
0x75: {  	_ =	shalt  }
0x76: {  	_ =	shalt  }
0x77: {  	_ =	shalt  }
0x78: {  	_ =	shalt  }
0x79: {  	_ =	shalt  }
0x7a: {  	_ =	shalt  }
0x7b: {  	_ =	shalt  }
0x7c: {  	_ =	shalt  }
0x7d: {  	_ =	shalt  }
0x7e: {  	_ =	shalt  }
0x7f: {  	_ =	shalt  }
0x80: {  	_ =	shalt  }
0x81: {  	_ =	shalt  }
0x82: {  	_ =	shalt  }
0x83: {  	_ =	shalt  }
0x84: {  	_ =	shalt  }
0x85: {  	_ =	shalt  }
0x86: {  	_ =	shalt  }
0x87: {  	_ =	shalt  }
.Lfunc_end0:
.L_simem_size_0:
called_computation_lowered:
.L_overlay_start_0:
0x88: {  	s0 =	sld [smem:$0x3FD9]  }
0x89: {  	s1 =	sld [smem:$0x3FFE];
	_ =	sdelay $0x3  }
0x8a: {  	s0 =	sadd.s32 s1, s0  }
0x8b: {  	[smem:$0x3FC5] =	sst s0  }
0x8c: {  	_ = 	snop  }
0x8d: {  	(tm) =	ssettm $0x1  }
0x8e: {  	s15 =	sld [smem:$0x3FFB];
	_ =	sdelay $0x3  }
0x8f: {  	_ =	strace s15  }
0x90: {  	s0 =	sld [smem:$0x3FFC];
	_ =	sdelay $0x3  }
0x91: {  	_ =	strace s0  }
0x92: {  	s0 =	sld [smem:$0x3FFD];
	_ =	sdelay $0x3  }
0x93: {  	_ =	strace s0  }
0x94: {  	_ =	strace $0x8FFFFFFF  }
0x95: {  	s16 =	sld [smem:$0x3FDB];
	_ =	sdelay $0x1  }
0x96: {  	s17 =	simm.s32 $_scs_section_size  }
0x97: {  	s2 =	simm.s32 $_size__tile_overlayer_lowered;
	s3 =	simm.s32 $_tile_overlayer_lowered  }
0x98: {  	s20 =	simm.s32 $0x1BFF;
	s19 =	sshll.u32 s3, $0x1;
	s0 =	sadd.s32 s17, s16  }
0x99: {  	s4 =	simm.s32 $0x0;
	s18 =	sshll.u32 s2, $0x1;
	s2 =	sadd.s32 s19, s0  }
0x9a: {  	[timem:s4], [sflag:s20] =	dma.local [hbm:s2], s18  }
0x9b: {  	_ =	swait.ge [sflag:s20], s18  }
0x9c: {  	s1 =	ssub.s32 $0x0, s18;
	[sflag:s20] =	ssyncset.done $0x0  }
0x9d: {  	[sflag:s20] =	ssyncadd.s32 s1;
	_ =	sdelay $0x1  }
0x9e: {  	s21 =	simm.s32 $0x1B8B  }
0x9f: {  	_ =	swait.ge [sflag:s21], $0x1  }
0xa0: {  	[sflag:s21] =	ssyncset.done $0x0  }
0xa1: {  	s23 =	simm.s32 $0x1B8E;
	s22 =	sld [smem:$0x3FFE];
	[sflag:s21] =	ssyncadd.s32 $0xFFFFFFFF  }
0xa2: {  	s24 =	simm.s32 $execute0_lowered;
	[smem:$0x3FD2] =	sst s23  }
0xa3: {  	s2 =	sshll.u32 s24, $0x1;
	_ =	strace $0x80000046;
	[dreg:$0x1] =	wrdreg $0xFFFFFFFF  }
0xa4: {  	s25 =	simm.s32 $_size_execute0_lowered;
	s0 =	sadd.s32 s0, s2;
	[dreg:$0x0] =	wrdreg $0x0  }
0xa5: {  	s2 =	sshll.u32 s25, $0x1;
	[dreg:$0x2] =	wrdreg s0  }
0xa6: {  	[dreg:$0x3] =	wrdreg s2  }
0xa7: {  	[dreg:$0x4] =	wrdreg $0xC0  }
0xa8: {  	_ =	task [dreg:s4], $0x5FFFF  }
0xa9: {  	[dreg:$0x1] =	wrdreg $0xFFFFFFFF  }
0xaa: {  	[dreg:$0x0] =	wrdreg $0x60  }
0xab: {  	[dreg:$0x2] =	wrdreg s22  }
0xac: {  	[dreg:$0x3] =	wrdreg $0x9  }
0xad: {  	_ =	task.clear_ibuf [dreg:s4], $0x4FFFF;
	_ =	strace $0x90000046  }
0xae: {  	s26 =	simm.s32 $0x9;
	_ =	strace $0x80000048  }
0xaf: {  	_ =	swait.ge [sflag:s26], $0x1  }
0xb0: {  	[sflag:s26] =	ssyncadd.s32 $0xFFFFFFFF  }
0xb1: {  	_ =	strace $0x90000048  }
0xb2: {  	_ =	sfence  }
0xb3: {  	s28 =	sld [smem:$0x0];
	_ =	sdelay $0x1  }
0xb4: {  	s29 =	srdreg.scid  }
0xb5: {  	s30 =	sshll.u32 s29, $0xD;
	s31 =	sshrl.u32 s29, $0x2  }
0xb6: {  	s1 =	sand.u32 $0x1, s29;
	s2 =	sand.u32 $0x4000, s30;
	s0 =	sadd.s32 s31, s28  }
0xb7: {  	s1 =	sor.u32 s2, s1;
	s0 =	sshll.u32 s0, $0x11  }
0xb8: {  	s0 =	sor.u32 s0, s1  }
0xb9: {  	s0 =	sadd.s32 $0x8F2B, s0  }
0xba: {  	[sflag:s0] =	ssyncadd.remote.s32 $0x1  }
0xbb: {  	_ =	sfence.sel $0xFFFF  }
0xbc: {  	[dreg:$0x0] =	wrdreg $0xFFFFFFFF;
	(pc) =	sbr.abs _section_cstart, $3  }
0xbd: {  	[dreg:$0x1] =	wrdreg $0xFFFFFFFF  }
0xbe: {  	_ =	task.clear_ibuf [dreg:s4], $0x2FFFF;
	_ =	strace $0x9FFFFFFF  }
0xbf: {  	(tm) =	ssettm $0x7FFFFFFF  }
tec
execute0_lowered:
.L_overlay_start_1:
0x0: {  	(tag) =	ssettag $0x1  }
0x1: {  	s3 =	rddreg [dreg:$0x0];
	s1 =	simm.s32 $0x0  }
0x2: {  	s2 =	stileid.u32;
	[smem:$0x7FF] =	sst s1  }
0x3: {  	s0 =	rddreg [dreg:$0x1];
	p0 =	sne.s32 s2, $0x0;
	_ =	strace $0x80000047  }
0x4: {  	_ =	sfence.sel @p0 $0x180000  }
0x5: {  	[bflag:$0x0] =	sbarrier.arrive @p0 $0xFFFF  }
0x6: {  	_ =	strace @p0 $0x90000047  }
0x7: {  	[bflag:$0x2] =	sbarrier.arrive @p0 $0xFFFF  }
0x8: {  	_ =	shalt @p0  }
.LBB2_1:
0x9: {  	s2 =	sadd.s32 $0x4000, s3;
	s4 =	simm.s32 $0x1880  }
0xa: {  	[tilespmem:s4], [sflag:$0x1] =	stream.linear.gather [hbm4b:s2+s1], $0x80, $0x38;
	[tilespmem:$0x1980] =	vst v63  }
0xb: {  	s1 =	simm.s32 $0x1  }
0xc: {  	_ =	swait.ge [sflag:s1], $0x80  }
0xd: {  	[sflag:s1] =	ssyncset.done $0x0  }
0xe: {  	[sflag:s1] =	ssyncadd.s32 $0xFFFFFF80  }
0xf: {  	v2 =	vld [tilespmem:$0x1890]  }
0x10: {  	v1 =	vld [tilespmem:$0x1880];
	_ =	sdelay $0x3  }
0x11: {  	(v2sf) =	vpush v2, $0x0  }
0x12: {  	(v2sf) =	vpush v1, $0x0  }
0x13: {  	(v2sf) =	vpush v1, $0x1;
	_ =	sdelay $0x1  }
0x14: {  	(v2sf) =	vpush v1, $0x2;
	_ =	sdelay $0x1  }
0x15: {  	(v2sf) =	vpush v1, $0x3;
	_ =	sdelay $0x1  }
0x16: {  	(v2sf) =	vpush v1, $0x4;
	_ =	sdelay $0x1  }
0x17: {  	(v2sf) =	vpush v1, $0x5;
	_ =	sdelay $0x1  }
0x18: {  	(v2sf) =	vpush v1, $0x6;
	_ =	sdelay $0x1  }
0x19: {  	(v2sf) =	vpush v1, $0x7  }
0x1a: {  	s15 =	spop (v2sf)  }
0x1b: {  	(v2sf) =	vpush v1, $0x8;
	s16 =	spop (v2sf)  }
0x1c: {  	s5 =	spop (v2sf)  }
0x1d: {  	(v2sf) =	vpush v1, $0x9;
	s4 =	sadd.f32 s5, s16  }
0x1e: {  	s17 =	spop (v2sf)  }
0x1f: {  	(v2sf) =	vpush v1, $0xA;
	s4 =	sadd.f32 s4, s17  }
0x20: {  	s18 =	spop (v2sf)  }
0x21: {  	(v2sf) =	vpush v1, $0xB;
	s4 =	sadd.f32 s4, s18  }
0x22: {  	s19 =	spop (v2sf)  }
0x23: {  	(v2sf) =	vpush v1, $0xC;
	s4 =	sadd.f32 s4, s19  }
0x24: {  	s20 =	spop (v2sf)  }
0x25: {  	(v2sf) =	vpush v1, $0xD;
	s4 =	sadd.f32 s4, s20  }
0x26: {  	s21 =	spop (v2sf)  }
0x27: {  	(v2sf) =	vpush v1, $0xE;
	s4 =	sadd.f32 s4, s21  }
0x28: {  	s22 =	spop (v2sf)  }
0x29: {  	(v2sf) =	vpush v1, $0xF;
	s4 =	sadd.f32 s4, s22  }
0x2a: {  	s23 =	spop (v2sf)  }
0x2b: {  	s4 =	sadd.f32 s4, s23  }
0x2c: {  	s24 =	spop (v2sf)  }
0x2d: {  	s4 =	sadd.f32 s4, s24  }
0x2e: {  	s25 =	spop (v2sf)  }
0x2f: {  	s4 =	sadd.f32 s4, s25  }
0x30: {  	s26 =	spop (v2sf)  }
0x31: {  	s4 =	sadd.f32 s4, s26  }
0x32: {  	s28 =	spop (v2sf)  }
0x33: {  	s4 =	sadd.f32 s4, s28  }
0x34: {  	s29 =	spop (v2sf)  }
0x35: {  	s4 =	sadd.f32 s4, s29  }
0x36: {  	s30 =	spop (v2sf)  }
0x37: {  	s4 =	sadd.f32 s4, s30  }
0x38: {  	s31 =	spop (v2sf)  }
0x39: {  	s4 =	sadd.f32 s4, s31;
	_ =	sdelay $0x1  }
0x3a: {  	s5 =	smul.f32 $1.000000000e+03, s4;
	_ =	sdelay $0x1  }
0x3b: {  	s2 =	ssub.f32 s5, s15  }
0x3c: {  	v0 =	vimm.s32 $0x0;
	s4 =	smul.f32 $9.990000000e+02, s4  }
0x3d: {  	[tilespmem:$0x1900] =	vst v0;
	s5 =	smul.f32 $9.996330140e-01, s2  }
0x3e: {  	[tilespmem:$0x1910] =	vst v0  }
0x3f: {  	[tilespmem:$0x1920] =	vst v0;
	p0 =	sge.f32 s5, s4  }
.Ltmp0:
0x40: {  	[tilespmem:$0x1930] =	vst v0;
	(pc) =	sbr.rel @!p0 .LBB2_7-.Ltmp0, $4  }
0x41: {  	[tilespmem:$0x1940] =	vst v0  }
0x42: {  	[tilespmem:$0x1950] =	vst v0  }
0x43: {  	[tilespmem:$0x1960] =	vst v0  }
0x44: {  	[tilespmem:$0x1970] =	vst v0;
	s2 =	sadd.s32 $0x4200, s3  }
0x45: {  	vm0 =	vmmov $0x1  }
0x46: {  	v2 =	vnsel vm0, $0x0, v2  }
0x47: {  	v1 =	vsub.f32 v1, v2;
	_ =	sdelay $0x1  }
0x48: {  	(v2sf) =	vpush v1, $0x0;
	_ =	sdelay $0x3  }
0x49: {  	(v2sf) =	vpush v1, $0x1;
	_ =	sdelay $0x1  }
0x4a: {  	(v2sf) =	vpush v1, $0x2;
	_ =	sdelay $0x1  }
0x4b: {  	(v2sf) =	vpush v1, $0x3;
	_ =	sdelay $0x1  }
0x4c: {  	(v2sf) =	vpush v1, $0x4;
	_ =	sdelay $0x1  }
0x4d: {  	(v2sf) =	vpush v1, $0x5;
	_ =	sdelay $0x1  }
0x4e: {  	(v2sf) =	vpush v1, $0x6  }
0x4f: {  	s6 =	spop (v2sf)  }
0x50: {  	(v2sf) =	vpush v1, $0x7;
	s7 =	smul.f32 $0.0e+00, s6;
	_ =	sdelay $0x1  }
0x51: {  	(v2sf) =	vpush v1, $0x8;
	s6 =	sadd.f32 s7, s6  }
0x52: {  	s8 =	spop (v2sf)  }
0x53: {  	(v2sf) =	vpush v1, $0x9;
	s8 =	sadd.f32 s6, s8  }
0x54: {  	s9 =	spop (v2sf)  }
0x55: {  	(v2sf) =	vpush v1, $0xA;
	s9 =	sadd.f32 s8, s9  }
0x56: {  	s10 =	spop (v2sf)  }
0x57: {  	(v2sf) =	vpush v1, $0xB;
	s10 =	sadd.f32 s9, s10  }
0x58: {  	s11 =	spop (v2sf)  }
0x59: {  	(v2sf) =	vpush v1, $0xC;
	s11 =	sadd.f32 s10, s11  }
0x5a: {  	s12 =	spop (v2sf)  }
0x5b: {  	(v2sf) =	vpush v1, $0xD;
	s12 =	sadd.f32 s11, s12  }
0x5c: {  	s13 =	spop (v2sf)  }
0x5d: {  	(v2sf) =	vpush v1, $0xE;
	s13 =	sadd.f32 s12, s13  }
0x5e: {  	s14 =	spop (v2sf)  }
0x5f: {  	s14 =	sadd.f32 s13, s14  }
0x60: {  	s15 =	spop (v2sf)  }
0x61: {  	s15 =	sadd.f32 s14, s15  }
0x62: {  	s16 =	spop (v2sf)  }
0x63: {  	s16 =	sadd.f32 s15, s16  }
0x64: {  	s17 =	spop (v2sf)  }
0x65: {  	s17 =	sadd.f32 s16, s17  }
0x66: {  	s18 =	spop (v2sf)  }
0x67: {  	s18 =	sadd.f32 s17, s18  }
0x68: {  	s19 =	spop (v2sf)  }
0x69: {  	s19 =	sadd.f32 s18, s19  }
0x6a: {  	s20 =	spop (v2sf)  }
0x6b: {  	s20 =	sadd.f32 s19, s20  }
0x6c: {  	s21 =	spop (v2sf)  }
0x6d: {  	s21 =	sadd.f32 s20, s21;
	_ =	sdelay $0x1  }
0x6e: {  	vm0 =	vcmask $0x300;
	v1 =	vmov s21  }
0x6f: {  	vm1 =	vcmask $0x704;
	v1 =	vsel vm0, s7, v1  }
0x70: {  	vm2 =	vcmask $0xB08;
	v1 =	vsel vm1, s6, v1  }
0x71: {  	vm3 =	vcmask $0xF0C;
	v1 =	vsel vm2, s8, v1  }
0x72: {  	vm5 =	vcmask $0x1310;
	v1 =	vsel vm3, s9, v1  }
0x73: {  	vm6 =	vcmask $0x1714;
	v1 =	vsel vm5, s10, v1  }
0x74: {  	vm7 =	vcmask $0x1B18;
	v1 =	vsel vm6, s11, v1  }
0x75: {  	vm8 =	vcmask $0x1F1C;
	v1 =	vsel vm7, s12, v1  }
0x76: {  	vm13 =	vcmask $0x2320;
	v1 =	vsel vm8, s13, v1  }
0x77: {  	vm9 =	vcmask $0x2724;
	v1 =	vsel vm13, s14, v1  }
0x78: {  	vm10 =	vcmask $0x2B28;
	v1 =	vsel vm9, s15, v1  }
0x79: {  	vm11 =	vcmask $0x2F2C;
	v1 =	vsel vm10, s16, v1  }
0x7a: {  	vm14 =	vcmask $0x3330;
	v1 =	vsel vm11, s17, v1  }
0x7b: {  	vm12 =	vcmask $0x3734;
	v1 =	vsel vm14, s18, v1  }
0x7c: {  	vm4 =	vcmask $0x3B38;
	s4 =	ssub.f32 s5, s4;
	v1 =	vsel vm12, s19, v1  }
0x7d: {  	v1 =	vsel vm4, s20, v1  }
0x7e: {  	vm15 =	vlt.f32 v1, s4  }
0x7f: {  	v0 =	vsel vm15, $0x1, v0  }
0x80: {  	(v2sf) =	vpush v0, $0x0  }
0x81: {  	(v2sf) =	vpush v0, $0x1  }
0x82: {  	(v2sf) =	vpush v0, $0x2  }
0x83: {  	(v2sf) =	vpush v0, $0x3  }
0x84: {  	(v2sf) =	vpush v0, $0x4  }
0x85: {  	(v2sf) =	vpush v0, $0x5  }
0x86: {  	(v2sf) =	vpush v0, $0x6  }
0x87: {  	(v2sf) =	vpush v0, $0x7  }
0x88: {  	(v2sf) =	vpush v0, $0x8  }
0x89: {  	(v2sf) =	vpush v0, $0x9  }
0x8a: {  	(v2sf) =	vpush v0, $0xA  }
0x8b: {  	(v2sf) =	vpush v0, $0xB  }
0x8c: {  	(v2sf) =	vpush v0, $0xC  }
0x8d: {  	(v2sf) =	vpush v0, $0xD  }
0x8e: {  	(v2sf) =	vpush v0, $0xE  }
0x8f: {  	s11 =	spop (v2sf);
	(v2sf) =	vpush v0, $0xF  }
0x90: {  	s12 =	spop (v2sf)  }
0x91: {  	s13 =	spop (v2sf);
	s5 =	sadd.s32 s11, s12  }
0x92: {  	s14 =	spop (v2sf);
	s5 =	sadd.s32 s13, s5  }
0x93: {  	s15 =	spop (v2sf);
	s5 =	sadd.s32 s14, s5  }
0x94: {  	s16 =	spop (v2sf);
	s5 =	sadd.s32 s15, s5  }
0x95: {  	s17 =	spop (v2sf);
	s5 =	sadd.s32 s16, s5  }
0x96: {  	s18 =	spop (v2sf);
	s5 =	sadd.s32 s17, s5  }
0x97: {  	s19 =	spop (v2sf);
	s5 =	sadd.s32 s18, s5  }
0x98: {  	s20 =	spop (v2sf);
	s5 =	sadd.s32 s19, s5  }
0x99: {  	s21 =	spop (v2sf);
	s5 =	sadd.s32 s20, s5  }
0x9a: {  	s22 =	spop (v2sf);
	s5 =	sadd.s32 s21, s5  }
0x9b: {  	s23 =	spop (v2sf);
	s5 =	sadd.s32 s22, s5  }
0x9c: {  	s24 =	spop (v2sf);
	s5 =	sadd.s32 s23, s5  }
0x9d: {  	s25 =	spop (v2sf);
	s5 =	sadd.s32 s24, s5  }
0x9e: {  	s26 =	spop (v2sf);
	s5 =	sadd.s32 s25, s5  }
0x9f: {  	s5 =	sadd.s32 s26, s5  }
0xa0: {  	s5 =	sadd.s32 $0xFFFFFFFF, s5  }
0xa1: {  	p0 =	sgt.s32 s5, $0x0  }
0xa2: {  	s5 =	simm.s32 @!p0 $0x0  }
0xa3: {  	s6 =	smin.u32 s5, $0xF  }
0xa4: {  	s28 =	smul.u32 $0x310, s6  }
0xa5: {  	s3 =	sadd.s32 $0xE00, s3  }
0xa6: {  	s29 =	simm.s32 $0x0;
	s3 =	sadd.s32 s3, s28  }
0xa7: {  	[tilespmem:s29], [sflag:$0x1] =	stream.linear.gather [hbm4b:s3+s29], $0x1880, $0x38;
	[tilespmem:$0x1980] =	vst v63  }
0xa8: {  	_ =	swait.ge [sflag:s1], $0x1880  }
0xa9: {  	[sflag:s1] =	ssyncset.done $0x0  }
0xaa: {  	s30 =	simm.s32 $0x40;
	[sflag:s1] =	ssyncadd.s32 $0xFFFFE780  }
0xab: {  	s5 =	smul.u32 $0x1880, s5;
	v0 =	vld [tilespmem:s30+$0xFFFFFFC0];
	_ =	sdelay $0x1  }
0xac: {  	s31 =	sadd.s32 $0x0, s5  }
0xad: {  	v2 =	vlaneseq.u32;
	v3 =	vmov s31;
	v4 =	vld [tilespmem:s30+$0xFFFFFFD0]  }
0xae: {  	vm15 =	veq.s32 v3, v2  }
0xaf: {  	v3 =	vimm.f32 $0.0e+00;
	v5 =	vld [tilespmem:s30+$0xFFFFFFE0];
	v0 =	vsel vm15, $0x0, v0  }
0xb0: {  	v0 =	vadd.f32 v0, v3  }
0xb1: {  	v3 =	vld [tilespmem:s30+$0xFFFFFFF0]  }
0xb2: {  	v0 =	vadd.f32 v0, v4  }
0xb3: {  	v4 =	vld [tilespmem:s30+$0x0]  }
0xb4: {  	v0 =	vadd.f32 v0, v5  }
0xb5: {  	v5 =	vld [tilespmem:s30+$0x10]  }
0xb6: {  	v3 =	vadd.f32 v0, v3  }
0xb7: {  	v0 =	vld [tilespmem:s30+$0x20]  }
0xb8: {  	v6 =	vadd.f32 v3, v4  }
0xb9: {  	s7 =	simm.s32 $0xC0;
	v3 =	vld [tilespmem:s30+$0x30]  }
0xba: {  	s8 =	simm.s32 $0x80;
	s9 =	simm.s32 $0x100;
	s3 =	smul.u32 $0x1880, s6;
	v4 =	vld [tilespmem:s7+$0xFFFFFFC0];
	v5 =	vadd.f32 v6, v5  }
.LBB2_3:
0xbb: {  	p0 =	sne.s32 s9, $0x1800  }
0xbc: {  	s10 =	sadd.s32 s8, s5;
	s8 =	smov.u32 s9;
	v0 =	vadd.f32 v5, v0  }
0xbd: {  	v5 =	vmov s10;
	v6 =	vld [tilespmem:s7+$0xFFFFFFD0]  }
0xbe: {  	vm15 =	veq.s32 v5, v2;
	v0 =	vadd.f32 v0, v3  }
0xbf: {  	v3 =	vsel vm15, $0x0, v4;
	v4 =	vld [tilespmem:s7+$0xFFFFFFE0]  }
0xc0: {  	v0 =	vadd.f32 v3, v0  }
0xc1: {  	v3 =	vld [tilespmem:s7+$0xFFFFFFF0]  }
0xc2: {  	v0 =	vadd.f32 v0, v6  }
0xc3: {  	v5 =	vld [tilespmem:s7+$0x0]  }
0xc4: {  	v0 =	vadd.f32 v0, v4  }
0xc5: {  	v6 =	vld [tilespmem:s7+$0x10]  }
.Ltmp1:
0xc6: {  	v3 =	vadd.f32 v0, v3;
	(pc) =	sbr.rel @p0 .LBB2_3-.Ltmp1, $4  }
0xc7: {  	v0 =	vld [tilespmem:s7+$0x20]  }
0xc8: {  	v5 =	vadd.f32 v3, v5  }
0xc9: {  	v3 =	vld [tilespmem:s7+$0x30];
	s7 =	sadd.s32 $0x80, s7  }
0xca: {  	s9 =	sadd.s32 $0x80, s9;
	v4 =	vld [tilespmem:s7+$0xFFFFFFC0];
	v5 =	vadd.f32 v5, v6  }
0xcb: {  	_ = 	snop  }
0xcc: {  	s8 =	sadd.s32 s8, s5;
	v5 =	vadd.f32 v5, v0  }
0xcd: {  	v7 =	vld [tilespmem:s7+$0xFFFFFFD0];
	v8 =	vmov s6;
	v6 =	vmov s8;
	v0 =	vlaneseq.u32  }
0xce: {  	vm15 =	veq.s32 v6, v2;
	vm0 =	veq.s32 v8, v0;
	v2 =	vadd.f32 v5, v3  }
0xcf: {  	v1 =	vnsel vm0, $0x0, v1;
	v3 =	vsel vm15, $0x0, v4;
	v4 =	vld [tilespmem:s7+$0xFFFFFFE0]  }
0xd0: {  	(v2sf) =	vpush v1, $0x0;
	v2 =	vadd.f32 v3, v2  }
0xd1: {  	v3 =	vld [tilespmem:s7+$0xFFFFFFF0];
	(v2sf) =	vpush v1, $0x1  }
0xd2: {  	(v2sf) =	vpush v1, $0x2;
	v2 =	vadd.f32 v2, v7  }
0xd3: {  	v5 =	vld [tilespmem:s7+$0x0];
	(v2sf) =	vpush v1, $0x3  }
0xd4: {  	(v2sf) =	vpush v1, $0x4;
	v2 =	vadd.f32 v2, v4  }
0xd5: {  	v4 =	vld [tilespmem:s7+$0x10];
	(v2sf) =	vpush v1, $0x5  }
0xd6: {  	(v2sf) =	vpush v1, $0x6;
	v2 =	vadd.f32 v2, v3  }
0xd7: {  	v3 =	vld [tilespmem:s7+$0x20];
	(v2sf) =	vpush v1, $0x7  }
0xd8: {  	(v2sf) =	vpush v1, $0x8;
	v2 =	vadd.f32 v2, v5  }
0xd9: {  	v5 =	vld [tilespmem:s7+$0x30];
	(v2sf) =	vpush v1, $0x9  }
0xda: {  	(v2sf) =	vpush v1, $0xA;
	v2 =	vadd.f32 v2, v4  }
0xdb: {  	(v2sf) =	vpush v1, $0xB  }
0xdc: {  	(v2sf) =	vpush v1, $0xC;
	v2 =	vadd.f32 v2, v3  }
0xdd: {  	(v2sf) =	vpush v1, $0xD  }
0xde: {  	(v2sf) =	vpush v1, $0xE;
	v2 =	vadd.f32 v2, v5  }
0xdf: {  	s9 =	spop (v2sf);
	(v2sf) =	vpush v1, $0xF  }
0xe0: {  	s10 =	spop (v2sf);
	(v2sf) =	vpush v2, $0x0  }
0xe1: {  	s11 =	spop (v2sf)  }
0xe2: {  	s12 =	spop (v2sf)  }
0xe3: {  	s13 =	spop (v2sf)  }
0xe4: {  	(v2sf) =	vpush v2, $0x1;
	s14 =	spop (v2sf)  }
0xe5: {  	s15 =	spop (v2sf)  }
0xe6: {  	(v2sf) =	vpush v2, $0x2;
	s16 =	spop (v2sf)  }
0xe7: {  	s17 =	spop (v2sf)  }
0xe8: {  	(v2sf) =	vpush v2, $0x3;
	s18 =	spop (v2sf)  }
0xe9: {  	s19 =	spop (v2sf)  }
0xea: {  	(v2sf) =	vpush v2, $0x4;
	s20 =	spop (v2sf)  }
0xeb: {  	s21 =	spop (v2sf)  }
0xec: {  	(v2sf) =	vpush v2, $0x5;
	s8 =	spop (v2sf)  }
0xed: {  	s7 =	spop (v2sf)  }
0xee: {  	s6 =	spop (v2sf);
	(v2sf) =	vpush v2, $0x6  }
0xef: {  	s22 =	spop (v2sf)  }
0xf0: {  	(v2sf) =	vpush v2, $0x7;
	s23 =	smul.f32 $0.0e+00, s22;
	_ =	sdelay $0x1  }
0xf1: {  	(v2sf) =	vpush v2, $0x8;
	s22 =	sadd.f32 s23, s22  }
0xf2: {  	s24 =	spop (v2sf)  }
0xf3: {  	(v2sf) =	vpush v2, $0x9;
	s24 =	sadd.f32 s22, s24  }
0xf4: {  	s25 =	spop (v2sf)  }
0xf5: {  	(v2sf) =	vpush v2, $0xA;
	s25 =	sadd.f32 s24, s25  }
0xf6: {  	s26 =	spop (v2sf)  }
0xf7: {  	(v2sf) =	vpush v2, $0xB;
	s26 =	sadd.f32 s25, s26  }
0xf8: {  	s28 =	spop (v2sf)  }
0xf9: {  	(v2sf) =	vpush v2, $0xC;
	s28 =	sadd.f32 s26, s28  }
0xfa: {  	s29 =	spop (v2sf)  }
0xfb: {  	(v2sf) =	vpush v2, $0xD;
	s29 =	sadd.f32 s28, s29  }
0xfc: {  	s30 =	spop (v2sf)  }
0xfd: {  	(v2sf) =	vpush v2, $0xE;
	s30 =	sadd.f32 s29, s30  }
0xfe: {  	s9 =	sadd.f32 s10, s9;
	s31 =	spop (v2sf)  }
0xff: {  	s10 =	sadd.f32 s30, s31  }
0x100: {  	s9 =	sadd.f32 s9, s11;
	s31 =	spop (v2sf)  }
0x101: {  	s11 =	sadd.f32 s10, s31  }
0x102: {  	s9 =	sadd.f32 s9, s12;
	s31 =	spop (v2sf)  }
0x103: {  	s12 =	sadd.f32 s11, s31  }
0x104: {  	s9 =	sadd.f32 s9, s13;
	s31 =	spop (v2sf)  }
0x105: {  	s13 =	sadd.f32 s12, s31  }
0x106: {  	s9 =	sadd.f32 s9, s14;
	s31 =	spop (v2sf)  }
0x107: {  	s14 =	sadd.f32 s13, s31  }
0x108: {  	s9 =	sadd.f32 s9, s15;
	s31 =	spop (v2sf)  }
0x109: {  	s15 =	sadd.f32 s14, s31  }
0x10a: {  	s9 =	sadd.f32 s9, s16;
	s31 =	spop (v2sf)  }
0x10b: {  	s16 =	sadd.f32 s15, s31  }
0x10c: {  	s9 =	sadd.f32 s9, s17;
	s31 =	spop (v2sf)  }
0x10d: {  	s17 =	sadd.f32 s16, s31;
	_ =	sdelay $0x1  }
0x10e: {  	vm0 =	vcmask $0x300;
	s9 =	sadd.f32 s9, s18;
	v1 =	vmov s17  }
0x10f: {  	v1 =	vsel vm0, s23, v1  }
0x110: {  	s9 =	sadd.f32 s9, s19;
	v1 =	vsel vm1, s22, v1  }
0x111: {  	v1 =	vsel vm2, s24, v1  }
0x112: {  	s9 =	sadd.f32 s9, s20;
	v1 =	vsel vm3, s25, v1  }
0x113: {  	v1 =	vsel vm5, s26, v1  }
0x114: {  	s9 =	sadd.f32 s9, s21;
	v1 =	vsel vm6, s28, v1  }
0x115: {  	v1 =	vsel vm7, s29, v1  }
0x116: {  	s8 =	sadd.f32 s9, s8;
	v1 =	vsel vm8, s30, v1  }
0x117: {  	s23 =	simm.s32 $0x40;
	v1 =	vsel vm13, s10, v1  }
0x118: {  	s7 =	sadd.f32 s8, s7;
	v3 =	vld [tilespmem:s23+$0xFFFFFFC0];
	v1 =	vsel vm9, s11, v1  }
0x119: {  	v1 =	vsel vm10, s12, v1  }
0x11a: {  	s6 =	sadd.f32 s7, s6;
	v1 =	vsel vm11, s13, v1  }
0x11b: {  	v2 =	vmov s5;
	v1 =	vsel vm14, s14, v1  }
0x11c: {  	s4 =	ssub.f32 s4, s6;
	vm0 =	veq.s32 v2, v0;
	v4 =	vld [tilespmem:s23+$0xFFFFFFD0];
	v1 =	vsel vm12, s15, v1  }
0x11d: {  	v5 =	vimm.f32 $0.0e+00;
	v3 =	vsel vm0, $0x0, v3;
	v2 =	vsel vm4, s16, v1  }
0x11e: {  	v3 =	vadd.f32 v3, v5;
	v1 =	vsub.f32 s4, v2  }
0x11f: {  	v6 =	vld [tilespmem:s23+$0xFFFFFFE0];
	v5 =	vimm.s32 $0xFFFFFFFF  }
0x120: {  	vm1 =	vlt.s32 v5, $0x0;
	vm0 =	vge.f32 v3, v1  }
0x121: {  	s24 =	simm.s32 $0x0;
	v3 =	vadd.f32 v3, v4;
	vm0 =	vmand vm1, vm0  }
0x122: {  	v4 =	vld [tilespmem:s23+$0xFFFFFFF0];
	v5 =	vsel vm0, s24, v5  }
0x123: {  	vm0 =	vge.f32 v3, v1;
	vm1 =	vlt.s32 v5, $0x0  }
0x124: {  	s25 =	simm.s32 $0x1;
	v3 =	vadd.f32 v3, v6;
	vm0 =	vmand vm0, vm1  }
0x125: {  	v6 =	vld [tilespmem:s23+$0x0];
	v5 =	vsel vm0, s25, v5  }
0x126: {  	vm0 =	vge.f32 v3, v1;
	vm1 =	vlt.s32 v5, $0x0  }
0x127: {  	s26 =	simm.s32 $0x2;
	v3 =	vadd.f32 v3, v4;
	vm0 =	vmand vm0, vm1  }
0x128: {  	v4 =	vld [tilespmem:s23+$0x10];
	v5 =	vsel vm0, s26, v5  }
0x129: {  	vm0 =	vge.f32 v3, v1;
	vm1 =	vlt.s32 v5, $0x0  }
0x12a: {  	s28 =	simm.s32 $0x3;
	v3 =	vadd.f32 v3, v6;
	vm0 =	vmand vm0, vm1  }
0x12b: {  	v6 =	vld [tilespmem:s23+$0x20];
	v5 =	vsel vm0, s28, v5  }
0x12c: {  	vm0 =	vge.f32 v3, v1;
	vm1 =	vlt.s32 v5, $0x0  }
0x12d: {  	s29 =	simm.s32 $0x4;
	v3 =	vadd.f32 v3, v4;
	vm0 =	vmand vm0, vm1  }
0x12e: {  	v4 =	vld [tilespmem:s23+$0x30];
	v5 =	vsel vm0, s29, v5  }
0x12f: {  	s6 =	simm.s32 $0xC0;
	vm0 =	vge.f32 v3, v1;
	vm1 =	vlt.s32 v5, $0x0  }
0x130: {  	v8 =	vld [tilespmem:s6+$0xFFFFFFC0];
	s30 =	simm.s32 $0x5;
	v3 =	vadd.f32 v3, v6;
	vm0 =	vmand vm0, vm1  }
0x131: {  	v5 =	vsel vm0, s30, v5  }
0x132: {  	s7 =	sadd.s32 $0x80, s5;
	vm0 =	vge.f32 v3, v1;
	vm1 =	vlt.s32 v5, $0x0  }
0x133: {  	s31 =	simm.s32 $0x6;
	v9 =	vadd.f32 v3, v4;
	v4 =	vmov s7;
	vm0 =	vmand vm0, vm1  }
0x134: {  	v6 =	vld [tilespmem:s6+$0xFFFFFFD0];
	vm1 =	veq.s32 v4, v0;
	v7 =	vsel vm0, s31, v5  }
0x135: {  	s9 =	simm.s32 $0x140;
	v3 =	vld [tilespmem:s6+$0xFFFFFFF0];
	v8 =	vsel vm1, $0x0, v8;
	vm0 =	vge.f32 v9, v1;
	vm1 =	vlt.s32 v7, $0x0  }
0x136: {  	s8 =	simm.s32 $0x17;
	s5 =	simm.s32 $0x7;
	v4 =	vmov s4;
	s4 =	simm.s32 $0xF;
	v5 =	vld [tilespmem:s6+$0xFFFFFFE0];
	v8 =	vadd.f32 v8, v9;
	vm0 =	vmand vm0, vm1  }
.LBB2_5:
0x137: {  	p0 =	sne.s32 s8, $0x187  }
0x138: {  	v9 =	vld [tilespmem:s9+$0xFFFFFFF0];
	v7 =	vsel vm0, s5, v7;
	s5 =	smov.u32 s4;
	s4 =	smov.u32 s8;
	s8 =	sadd.s32 $0x8, s8  }
0x139: {  	vm0 =	vge.f32 v8, v1;
	vm1 =	vlt.s32 v7, $0x0;
	v6 =	vadd.f32 v8, v6  }
0x13a: {  	s10 =	sadd.s32 $0xFFFFFFF9, s5;
	vm0 =	vmand vm1, vm0;
	v8 =	vld [tilespmem:s6+$0x0]  }
0x13b: {  	v7 =	vsel vm0, s10, v7;
	v5 =	vadd.f32 v6, v5  }
0x13c: {  	vm0 =	vge.f32 v6, v1;
	vm1 =	vlt.s32 v7, $0x0;
	v6 =	vld [tilespmem:s6+$0x10]  }
0x13d: {  	s10 =	sadd.s32 $0xFFFFFFFA, s5;
	vm0 =	vmand vm0, vm1;
	v10 =	vadd.f32 v5, v3;
	v3 =	vmov v9  }
0x13e: {  	v7 =	vsel vm0, s10, v7;
	v9 =	vld [tilespmem:s6+$0x20]  }
0x13f: {  	vm0 =	vge.f32 v5, v1;
	vm1 =	vlt.s32 v7, $0x0;
	v5 =	vadd.f32 v10, v8  }
0x140: {  	s10 =	sadd.s32 $0xFFFFFFFB, s5;
	vm0 =	vmand vm0, vm1;
	v8 =	vld [tilespmem:s6+$0x30];
	s6 =	smov.u32 s9  }
0x141: {  	v7 =	vsel vm0, s10, v7;
	v6 =	vadd.f32 v5, v6  }
0x142: {  	vm0 =	vge.f32 v10, v1;
	vm1 =	vlt.s32 v7, $0x0  }
0x143: {  	s10 =	sadd.s32 $0xFFFFFFFC, s5;
	vm0 =	vmand vm0, vm1;
	v9 =	vadd.f32 v6, v9  }
0x144: {  	v7 =	vsel vm0, s10, v7  }
0x145: {  	vm0 =	vge.f32 v5, v1;
	vm1 =	vlt.s32 v7, $0x0;
	v8 =	vadd.f32 v9, v8  }
0x146: {  	s10 =	sadd.s32 $0xFFFFFFFD, s5;
	vm0 =	vmand vm0, vm1  }
0x147: {  	v5 =	vsel vm0, s10, v7  }
0x148: {  	vm0 =	vge.f32 v6, v1;
	vm1 =	vlt.s32 v5, $0x0  }
0x149: {  	s10 =	sadd.s32 $0xFFFFFFFE, s5;
	v10 =	vld [tilespmem:s9+$0xFFFFFFC0];
	vm0 =	vmand vm0, vm1  }
0x14a: {  	v5 =	vsel vm0, s10, v5  }
.Ltmp2:
0x14b: {  	s7 =	sadd.s32 $0x80, s7;
	vm0 =	vge.f32 v9, v1;
	vm1 =	vlt.s32 v5, $0x0;
	(pc) =	sbr.rel @p0 .LBB2_5-.Ltmp2, $4  }
0x14c: {  	v7 =	vmov s7;
	s10 =	sadd.s32 $0xFFFFFFFF, s5;
	v6 =	vld [tilespmem:s9+$0xFFFFFFD0];
	vm0 =	vmand vm0, vm1  }
0x14d: {  	vm1 =	veq.s32 v7, v0;
	v7 =	vsel vm0, s10, v5  }
0x14e: {  	vm0 =	vge.f32 v8, v1;
	v9 =	vsel vm1, $0x0, v10;
	v5 =	vld [tilespmem:s9+$0xFFFFFFE0];
	vm1 =	vlt.s32 v7, $0x0  }
0x14f: {  	s9 =	sadd.s32 $0x80, s9;
	v8 =	vadd.f32 v9, v8;
	vm0 =	vmand vm0, vm1  }
0x150: {  	vm1 =	vlt.f32 v2, v4;
	v0 =	vimm.s32 $0x0  }
0x151: {  	v0 =	vsel vm1, $0x1, v0  }
0x152: {  	(v2sf) =	vpush v0, $0x0  }
0x153: {  	(v2sf) =	vpush v0, $0x1  }
0x154: {  	(v2sf) =	vpush v0, $0x2  }
0x155: {  	(v2sf) =	vpush v0, $0x3  }
0x156: {  	(v2sf) =	vpush v0, $0x4  }
0x157: {  	(v2sf) =	vpush v0, $0x5  }
0x158: {  	(v2sf) =	vpush v0, $0x6  }
0x159: {  	(v2sf) =	vpush v0, $0x7  }
0x15a: {  	(v2sf) =	vpush v0, $0x8  }
0x15b: {  	(v2sf) =	vpush v0, $0x9  }
0x15c: {  	(v2sf) =	vpush v0, $0xA  }
0x15d: {  	(v2sf) =	vpush v0, $0xB  }
0x15e: {  	(v2sf) =	vpush v0, $0xC  }
0x15f: {  	v53 =	vsel vm0, s5, v7;
	(v2sf) =	vpush v0, $0xD  }
0x160: {  	vm10 =	vge.f32 v8, v1;
	vm11 =	vlt.s32 v53, $0x0;
	(v2sf) =	vpush v0, $0xE  }
0x161: {  	s16 =	sadd.s32 $0xFFFFFFF9, s4;
	v54 =	vadd.f32 v8, v6;
	vm0 =	vmand vm11, vm10;
	s7 =	spop (v2sf);
	(v2sf) =	vpush v0, $0xF  }
0x162: {  	v55 =	vsel vm0, s16, v53;
	s17 =	spop (v2sf)  }
0x163: {  	vm12 =	vge.f32 v54, v1;
	vm13 =	vlt.s32 v55, $0x0;
	s8 =	spop (v2sf);
	s5 =	sadd.s32 s7, s17  }
0x164: {  	s18 =	sadd.s32 $0xFFFFFFFA, s4;
	v56 =	vadd.f32 v54, v5;
	vm0 =	vmand vm12, vm13;
	s9 =	spop (v2sf);
	s5 =	sadd.s32 s8, s5  }
0x165: {  	v57 =	vld [tilespmem:s6+$0x0];
	v0 =	vsel vm0, s18, v55;
	s19 =	spop (v2sf);
	s5 =	sadd.s32 s9, s5  }
0x166: {  	vm14 =	vge.f32 v56, v1;
	vm15 =	vlt.s32 v0, $0x0;
	s20 =	spop (v2sf);
	s5 =	sadd.s32 s19, s5  }
0x167: {  	s21 =	sadd.s32 $0xFFFFFFFB, s4;
	v2 =	vadd.f32 v56, v3;
	vm0 =	vmand vm14, vm15;
	s22 =	spop (v2sf);
	s5 =	sadd.s32 s20, s5  }
0x168: {  	v58 =	vld [tilespmem:s6+$0x10];
	v0 =	vsel vm0, s21, v0;
	s23 =	spop (v2sf);
	s5 =	sadd.s32 s22, s5  }
0x169: {  	vm4 =	vge.f32 v2, v1;
	vm5 =	vlt.s32 v0, $0x0;
	s24 =	spop (v2sf);
	s5 =	sadd.s32 s23, s5  }
0x16a: {  	s25 =	sadd.s32 $0xFFFFFFFC, s4;
	v2 =	vadd.f32 v2, v57;
	vm0 =	vmand vm4, vm5;
	s26 =	spop (v2sf);
	s5 =	sadd.s32 s24, s5  }
0x16b: {  	v59 =	vld [tilespmem:s6+$0x20];
	v0 =	vsel vm0, s25, v0;
	s28 =	spop (v2sf);
	s5 =	sadd.s32 s26, s5  }
0x16c: {  	vm6 =	vge.f32 v2, v1;
	vm7 =	vlt.s32 v0, $0x0;
	s29 =	spop (v2sf);
	s5 =	sadd.s32 s28, s5  }
0x16d: {  	s30 =	sadd.s32 $0xFFFFFFFD, s4;
	v2 =	vadd.f32 v2, v58;
	vm0 =	vmand vm6, vm7;
	s31 =	spop (v2sf);
	s5 =	sadd.s32 s29, s5  }
0x16e: {  	v60 =	vld [tilespmem:s6+$0x30];
	v0 =	vsel vm0, s30, v0;
	s10 =	spop (v2sf);
	s5 =	sadd.s32 s31, s5  }
0x16f: {  	vm8 =	vge.f32 v2, v1;
	vm9 =	vlt.s32 v0, $0x0;
	s11 =	spop (v2sf);
	s5 =	sadd.s32 s10, s5  }
0x170: {  	s12 =	sadd.s32 $0xFFFFFFFE, s4;
	v2 =	vadd.f32 v2, v59;
	vm0 =	vmand vm8, vm9;
	s13 =	spop (v2sf);
	s5 =	sadd.s32 s11, s5  }
0x171: {  	v0 =	vsel vm0, s12, v0;
	s5 =	sadd.s32 s13, s5  }
0x172: {  	vm10 =	vge.f32 v2, v1;
	vm11 =	vlt.s32 v0, $0x0;
	s5 =	sadd.s32 $0xFFFFFFFF, s5  }
0x173: {  	s14 =	sadd.s32 $0xFFFFFFFF, s4;
	v2 =	vadd.f32 v2, v60;
	vm0 =	vmand vm10, vm11;
	p0 =	sgt.s32 s5, $0x0  }
0x174: {  	v0 =	vsel vm0, s14, v0;
	s5 =	simm.s32 @!p0 $0x0  }
0x175: {  	vm12 =	vge.f32 v2, v1;
	vm13 =	vlt.s32 v0, $0x0;
	s5 =	smin.u32 s5, $0xF  }
0x176: {  	v62 =	vlaneseq.u32;
	vm0 =	vmand vm12, vm13;
	v61 =	vmov s5  }
0x177: {  	v0 =	vsel vm0, s4, v0;
	vm14 =	veq.s32 v61, v62  }
0x178: {  	v0 =	vnsel vm14, $0x0, v0  }
0x179: {  	(v2sf) =	vpush v0, $0x0  }
0x17a: {  	(v2sf) =	vpush v0, $0x1  }
0x17b: {  	(v2sf) =	vpush v0, $0x2  }
0x17c: {  	(v2sf) =	vpush v0, $0x3  }
0x17d: {  	(v2sf) =	vpush v0, $0x4  }
0x17e: {  	(v2sf) =	vpush v0, $0x5  }
0x17f: {  	(v2sf) =	vpush v0, $0x6  }
0x180: {  	(v2sf) =	vpush v0, $0x7  }
0x181: {  	(v2sf) =	vpush v0, $0x8  }
0x182: {  	(v2sf) =	vpush v0, $0x9  }
0x183: {  	(v2sf) =	vpush v0, $0xA  }
0x184: {  	(v2sf) =	vpush v0, $0xB  }
0x185: {  	(v2sf) =	vpush v0, $0xC  }
0x186: {  	(v2sf) =	vpush v0, $0xD  }
0x187: {  	(v2sf) =	vpush v0, $0xE  }
0x188: {  	s15 =	spop (v2sf);
	(v2sf) =	vpush v0, $0xF  }
0x189: {  	s16 =	spop (v2sf)  }
0x18a: {  	s17 =	spop (v2sf);
	s4 =	sadd.s32 s16, s15  }
0x18b: {  	s18 =	spop (v2sf);
	s4 =	sadd.s32 s17, s4  }
0x18c: {  	s19 =	spop (v2sf);
	s4 =	sadd.s32 s18, s4  }
0x18d: {  	s20 =	spop (v2sf);
	s4 =	sadd.s32 s19, s4  }
0x18e: {  	s21 =	spop (v2sf);
	s4 =	sadd.s32 s20, s4  }
0x18f: {  	s22 =	spop (v2sf);
	s4 =	sadd.s32 s21, s4  }
0x190: {  	s23 =	spop (v2sf);
	s4 =	sadd.s32 s22, s4  }
0x191: {  	s24 =	spop (v2sf);
	s4 =	sadd.s32 s23, s4  }
0x192: {  	s25 =	spop (v2sf);
	s4 =	sadd.s32 s24, s4  }
0x193: {  	s26 =	spop (v2sf);
	s4 =	sadd.s32 s25, s4  }
0x194: {  	s28 =	spop (v2sf);
	s4 =	sadd.s32 s26, s4  }
0x195: {  	s29 =	spop (v2sf);
	s4 =	sadd.s32 s28, s4  }
0x196: {  	s30 =	spop (v2sf);
	s4 =	sadd.s32 s29, s4  }
0x197: {  	s4 =	sadd.s32 s30, s4;
	s31 =	spop (v2sf)  }
0x198: {  	s4 =	sadd.s32 s31, s4  }
0x199: {  	p0 =	slt.s32 s4, $0x0;
	s4 =	sshll.u32 s4, $0x4  }
0x19a: {  	v63 =	vld [tilespmem:$0x1950];
	s4 =	simm.s32 @p0 $0x1870  }
0x19b: {  	s3 =	sadd.s32 s3, s4  }
0x19c: {  	s3 =	sor.u32 s5, s3  }
0x19d: {  	p0 =	slt.s32 s3, $0x1869F  }
0x19e: {  	vm15 =	veq.s32 v62, $0x1;
	s3 =	simm.s32 @!p0 $0x1869F  }
0x19f: {  	v0 =	vsel vm15, s3, v63  }
0x1a0: {  	[tilespmem:$0x1950] =	vst v0  }
.LBB2_7:
0x1a1: {  	s3 =	simm.s32 $0x0;
	s4 =	simm.s32 $0x1900  }
0x1a2: {  	[hbm4b:s2+s3] =	stream.linear.scatter [tilespmem:s4], [sflag:$0x1], $0x80, $0x38;
	[tilespmem:$0x1980] =	vst v63  }
0x1a3: {  	_ =	swait.ge [sflag:s1], $0x80  }
0x1a4: {  	[sflag:s1] =	ssyncset.done $0x0  }
0x1a5: {  	[sflag:s1] =	ssyncadd.s32 $0xFFFFFF80  }
0x1a6: {  	_ =	sfence.sel $0x180000  }
0x1a7: {  	[bflag:$0x0] =	sbarrier.arrive $0xFFFF  }
0x1a8: {  	_ =	strace $0x90000047  }
0x1a9: {  	s0 =	sadd.s32 $0x100000, s0;
	[bflag:$0x2] =	sbarrier.arrive $0xFFFF  }
0x1aa: {  	[sflag:s0] =	ssyncadd.tile.s32 $0x1;
	_ =	shalt  }
.Lfunc_end2:
_tile_overlayer_lowered:
.L_overlay_start_2:
0x1ab: {  	(tag) =	ssettag $0x2  }
0x1ac: {  	s0 =	rddreg [dreg:$0x0];
	s2 =	stileid.u32  }
0x1ad: {  	s1 =	rddreg [dreg:$0x1];
	p0 =	sne.s32 s2, $0x0  }
0x1ae: {  	s3 =	rddreg [dreg:$0x2];
	[bflag:$0x3] =	sbarrier.arrive $0xFFFF;
	s2 =	simm.s32 @!p0 $0x1C01  }
0x1af: {  	[timem:s3], [sflag:s2] =	dma.local @!p0 [hbm:s0], s1  }
0x1b0: {  	s0 =	simm.s32 @!p0 $0x1  }
0x1b1: {  	_ =	swait.ge @!p0 [sflag:s0], s1  }
0x1b2: {  	s1 =	ssub.s32 @!p0 $0x0, s1;
	[sflag:s0] =	ssyncset.done @!p0 $0x0  }
0x1b3: {  	[sflag:s0] =	ssyncadd.s32 @!p0 s1  }
0x1b4: {  	[bflag:$0x3] =	sbarrier.arrive $0xFFFF  }
0x1b5: {  	_ =	shalt  }

</sc_bundles>
